<compile_context>
chip_gen: v7x
topology: tpu7x:2x2x1
jax: 0.10.2.dev20260603
libtpu: 0.0.44.dev20260713+nightly
codegen_flags: <defaults>
</compile_context>

<pallas_src>
import functools

import jax
import jax.numpy as jnp
from jax import lax
from jax.experimental import pallas as pl
from jax.experimental.pallas import tpu as pltpu
from jax.experimental.pallas import tpu_sc as plsc

N = 10000
E = 320000
D = 128
NPAD = 10240
NW = 32
K = 80
C = 128
EPW = K * C
EPAD = NW * EPW
HROWS = NPAD // 16
NBUF = 2
K2 = K // 2
BLK = 512


_mesh = plsc.VectorSubcoreMesh(core_axis_name="c", subcore_axis_name="s")



@functools.partial(
    pl.kernel, mesh=_mesh,
    out_type=jax.ShapeDtypeStruct((2, NPAD, D), jnp.float32),
    scratch_types=[
        pltpu.VMEM((K, C), jnp.int32),
        pltpu.VMEM((C, D), jnp.float32),
        pltpu.VMEM_SHARED((NPAD, D), jnp.float32),
    ],
)
def _hist_kernel(dst_hbm, ones_hbm, zeros_hbm, out_hbm, dst_v, ones_v, h_sh):
    c = lax.axis_index("c")
    s = lax.axis_index("s")
    wid = c * 16 + s
    pltpu.sync_copy(dst_hbm.at[wid], dst_v)
    pltpu.sync_copy(ones_hbm, ones_v)
    pltpu.sync_copy(zeros_hbm.at[pl.ds(s * HROWS, HROWS)],
                    h_sh.at[pl.ds(s * HROWS, HROWS)])
    plsc.subcore_barrier()

    def chunk(j, carry):
        pltpu.sync_copy(ones_v, h_sh.at[dst_v.at[j]], add=True)
        return carry

    lax.fori_loop(0, K, chunk, 0)
    plsc.subcore_barrier()
    pltpu.sync_copy(h_sh.at[pl.ds(s * HROWS, HROWS)],
                    out_hbm.at[c, pl.ds(s * HROWS, HROWS)])




@functools.partial(
    pl.kernel, mesh=_mesh,
    out_type=jax.ShapeDtypeStruct((2, NPAD, D), jnp.float32),
    scratch_types=[
        pltpu.VMEM((K2, C), jnp.int32),
        pltpu.VMEM((K2, C), jnp.int32),
        [pltpu.VMEM((C, D), jnp.float32)] * NBUF,
        [pltpu.SemaphoreType.DMA] * NBUF,
        pltpu.VMEM_SHARED((NPAD, D), jnp.float32),
    ],
)
def _edge_scatter(y_hbm, src_hbm, dst_hbm, zeros_hbm, out_hbm,
                  src_v, dst_v, gbufs, sems, z_sh):
    c = lax.axis_index("c")
    s = lax.axis_index("s")
    wid = c * 16 + s
    pltpu.sync_copy(zeros_hbm.at[pl.ds(s * HROWS, HROWS)],
                    z_sh.at[pl.ds(s * HROWS, HROWS)])
    plsc.subcore_barrier()

    for h in range(2):
        pltpu.sync_copy(src_hbm.at[wid].at[h], src_v)
        pltpu.sync_copy(dst_hbm.at[wid].at[h], dst_v)
        pltpu.async_copy(y_hbm.at[src_v.at[0]], gbufs[0], sems[0])

        def group(g, carry):
            for b in range(NBUF):
                j = g * NBUF + b
                jn = j + 1

                @pl.when(jn < K2)
                def _():
                    pltpu.async_copy(y_hbm.at[src_v.at[jn]],
                                     gbufs[1 - b], sems[1 - b])

                pltpu.make_async_copy(y_hbm.at[src_v.at[j]], gbufs[b],
                                      sems[b]).wait()
                pltpu.sync_copy(gbufs[b], z_sh.at[dst_v.at[j]], add=True)
            return carry

        lax.fori_loop(0, K2 // NBUF, group, 0)
    plsc.subcore_barrier()
    pltpu.sync_copy(z_sh.at[pl.ds(s * HROWS, HROWS)],
                    out_hbm.at[c, pl.ds(s * HROWS, HROWS)])



def _dis(ha_ref, hb_ref):
    return lax.rsqrt(ha_ref[:, :1] + hb_ref[:, :1] + 1.0)


def _mmscale_body(x_ref, w_ref, ha_ref, hb_ref, o_ref):
    o_ref[...] = jnp.dot(x_ref[...], w_ref[...],
                         preferred_element_type=jnp.float32) * _dis(ha_ref,
                                                                    hb_ref)


def _comb2_body(za_ref, zb_ref, y1_ref, ha_ref, hb_ref, b_ref, w_ref, o_ref):
    dis = _dis(ha_ref, hb_ref)
    pre = (za_ref[...] + zb_ref[...] + y1_ref[...]) * dis + b_ref[...]
    h = jnp.maximum(pre, 0.0)
    rows = lax.broadcasted_iota(jnp.int32, (BLK, 1), 0) + pl.program_id(0) * BLK
    h = jnp.where(rows < N, h, 0.0)
    o_ref[...] = jnp.dot(h, w_ref[...],
                         preferred_element_type=jnp.float32) * dis


def _fin_body(za_ref, zb_ref, y2_ref, ha_ref, hb_ref, b_ref, o_ref):
    dis = _dis(ha_ref, hb_ref)
    o_ref[...] = (za_ref[...] + zb_ref[...] + y2_ref[...]) * dis + b_ref[...]


def _row_spec(width=D):
    return pl.BlockSpec((BLK, width), lambda i: (i, 0))


def _full_spec(shape):
    return pl.BlockSpec(shape, lambda i: (0, 0))


def _mmscale(x, w, ha, hb):
    return pl.pallas_call(
        _mmscale_body,
        grid=(NPAD // BLK,),
        in_specs=[_row_spec(), _full_spec((D, D)), _row_spec(), _row_spec()],
        out_specs=_row_spec(),
        out_shape=jax.ShapeDtypeStruct((NPAD, D), jnp.float32),
    )(x, w, ha, hb)


def _comb2(za, zb, y1, ha, hb, b, w):
    return pl.pallas_call(
        _comb2_body,
        grid=(NPAD // BLK,),
        in_specs=[_row_spec(), _row_spec(), _row_spec(),
                  _row_spec(), _row_spec(),
                  _full_spec((1, D)), _full_spec((D, D))],
        out_specs=_row_spec(),
        out_shape=jax.ShapeDtypeStruct((NPAD, D), jnp.float32),
    )(za, zb, y1, ha, hb, b, w)


def _fin(za, zb, y2, ha, hb, b):
    return pl.pallas_call(
        _fin_body,
        grid=(NPAD // BLK,),
        in_specs=[_row_spec(), _row_spec(), _row_spec(),
                  _row_spec(), _row_spec(), _full_spec((1, D))],
        out_specs=_row_spec(),
        out_shape=jax.ShapeDtypeStruct((NPAD, D), jnp.float32),
    )(za, zb, y2, ha, hb, b)



def kernel(x, edge_index, W1, b1, W2, b2):
    src = edge_index[0].astype(jnp.int32)
    dst = edge_index[1].astype(jnp.int32)
    pad = N + (jnp.arange(EPAD - E, dtype=jnp.int32) % (NPAD - N))
    srcp = jnp.concatenate([src, pad]).reshape(NW, 2, K2, C)
    dstp = jnp.concatenate([dst, pad]).reshape(NW, 2, K2, C)
    dsth = dstp.reshape(NW, K, C)
    x_pad = jnp.concatenate(
        [x, jnp.zeros((NPAD - N, D), jnp.float32)], axis=0)
    zeros_z = jnp.zeros((NPAD, D), jnp.float32)
    ones_c = jnp.ones((C, D), jnp.float32)

    hist = _hist_kernel(dsth, ones_c, zeros_z)
    ha, hb = hist[0], hist[1]

    y1 = _mmscale(x_pad, W1, ha, hb)
    z1 = _edge_scatter(y1, srcp, dstp, zeros_z)
    y2 = _comb2(z1[0], z1[1], y1, ha, hb,
                b1.reshape(1, D), W2)
    z2 = _edge_scatter(y2, srcp, dstp, zeros_z)
    out = _fin(z2[0], z2[1], y2, ha, hb, b2.reshape(1, D))
    return out[:N]

# --- scband reference (transcript-rebuilt; emitter-appended) ---
"""Pipeline reference for scband-gcnencoder-85882166051006 (READ-ONLY COPY).

The authoritative reference and input builder live on the scoring server;
editing this copy changes nothing except your own understanding.
"""

import jax, jax.numpy as jnp
import numpy as np

N_NODES = 10000
N_EDGES = 320000
D_IN = 128
D_HID = 128
D_OUT = 128


def setup_inputs(seed: int = 0) -> dict:
    key = jax.random.key(seed)
    k1, k2, k3, k4, k5, k6 = jax.random.split(key, 6)
    x = jax.random.normal(k1, (N_NODES, D_IN), dtype=jnp.float32)
    edge_index = jax.random.randint(k2, (2, N_EDGES), 0, N_NODES, dtype=jnp.int64)
    # GCNConv parameters (glorot-ish scale)
    W1 = jax.random.normal(k3, (D_IN, D_HID), dtype=jnp.float32) * (1.0 / np.sqrt(D_IN))
    b1 = jnp.zeros((D_HID,), dtype=jnp.float32)
    W2 = jax.random.normal(k4, (D_HID, D_OUT), dtype=jnp.float32) * (1.0 / np.sqrt(D_HID))
    b2 = jnp.zeros((D_OUT,), dtype=jnp.float32)
    return {"x": x, "edge_index": edge_index, "W1": W1, "b1": b1, "W2": W2, "b2": b2}


def _gcn_conv(x, edge_index, W, b, num_nodes):
    # x @ W, then symmetric-normalized propagation with self-loops (PyG GCNConv defaults)
    src = edge_index[0]
    dst = edge_index[1]
    loop = jnp.arange(num_nodes, dtype=src.dtype)
    src = jnp.concatenate([src, loop])
    dst = jnp.concatenate([dst, loop])
    ones = jnp.ones_like(dst, dtype=jnp.float32)
    deg = jnp.zeros((num_nodes,), dtype=jnp.float32).at[dst].add(ones)
    deg_inv_sqrt = jnp.where(deg > 0, jax.lax.rsqrt(deg), 0.0)
    norm = deg_inv_sqrt[src] * deg_inv_sqrt[dst]
    xw = x @ W
    msg = xw[src] * norm[:, None]
    out = jnp.zeros((num_nodes, W.shape[1]), dtype=jnp.float32).at[dst].add(msg)
    return out + b


def reference(x, edge_index, W1, b1, W2, b2):
    num_nodes = x.shape[0]
    h = _gcn_conv(x, edge_index, W1, b1, num_nodes)
    h = jax.nn.relu(h)
    # dropout is identity in eval mode (deterministic reference)
    out = _gcn_conv(h, edge_index, W2, b2, num_nodes)
    return out

if __name__ == "__main__":
    import jax
    _d = setup_inputs()
    print(jax.jit(kernel)(*tuple(_d.values())))

</pallas_src>

<mosaic_0001>
#map = affine_map<(d0, d1) -> (0, 0, 0)>
#map1 = affine_map<(d0, d1) -> (0, 0)>
module attributes {stable_mosaic.version = 14 : i64} {
  func.func @_hist_kernel(%arg0: i32, %arg1: i32, %arg2: memref<32x80x128xi32, #tpu.memory_space<hbm>>, %arg3: memref<128x128xf32, #tpu.memory_space<hbm>>, %arg4: memref<10240x128xf32, #tpu.memory_space<hbm>>, %arg5: memref<2x10240x128xf32, #tpu.memory_space<hbm>>, %arg6: memref<80x128xi32, #tpu.memory_space<vmem>>, %arg7: memref<128x128xf32, #tpu.memory_space<vmem>>, %arg8: memref<10240x128xf32, #tpu.memory_space<vmem_shared>>) attributes {dimension_semantics = [#tpu.dimension_semantics<core_parallel>, #tpu.dimension_semantics<subcore_parallel>], iteration_bounds = array<i64: 2, 16>, scalar_prefetch = 0 : i64, scratch_operands = 3 : i64, tpu.core_type = #tpu.core_type<sc_vector_subcore>, window_params = [{transform_indices = #map}, {transform_indices = #map1}, {transform_indices = #map1}, {transform_indices = #map}]} {
    %mul3A = arith.constant 16 : i32
    %mul3A_0 = arith.muli %arg0, %mul3A : i32
    %add3A = arith.addi %mul3A_0, %arg1 : i32
    "tpu.region"() ({
      %run_scoped3A = tpu.sem_alloc : memref<!tpu.dma_semaphore, #tpu.memory_space<semaphore_mem>>
      %dma_start3A = arith.constant 0 : i32
      %dma_start3A_15 = arith.constant 0 : i32
      %dma_start3A_16 = tpu.memref_slice %arg2[%add3A, %dma_start3A, %dma_start3A_15] : memref<32x80x128xi32, #tpu.memory_space<hbm>> -> memref<1x80x128xi32, #tpu.memory_space<hbm>>
      %dma_start3A_17 = tpu.memref_squeeze %dma_start3A_16 : memref<1x80x128xi32, #tpu.memory_space<hbm>> -> memref<80x128xi32, #tpu.memory_space<hbm>>
      %dma_start3A_18 = arith.constant 0 : i32
      %dma_start3A_19 = arith.constant 0 : i32
      %dma_start3A_20 = tpu.memref_slice %arg2[%add3A, %dma_start3A_18, %dma_start3A_19] : memref<32x80x128xi32, #tpu.memory_space<hbm>> -> memref<1x80x128xi32, #tpu.memory_space<hbm>>
      %dma_start3A_21 = tpu.memref_squeeze %dma_start3A_20 : memref<1x80x128xi32, #tpu.memory_space<hbm>> -> memref<80x128xi32, #tpu.memory_space<hbm>>
      tpu.enqueue_dma source(%dma_start3A_21 : memref<80x128xi32, #tpu.memory_space<hbm>>) target(%arg6 : memref<80x128xi32, #tpu.memory_space<vmem>>) target_semaphore(%run_scoped3A : memref<!tpu.dma_semaphore, #tpu.memory_space<semaphore_mem>>)
      %dma_wait3A = arith.constant 0 : i32
      %dma_wait3A_22 = arith.constant 0 : i32
      %dma_wait3A_23 = tpu.memref_slice %arg2[%add3A, %dma_wait3A, %dma_wait3A_22] : memref<32x80x128xi32, #tpu.memory_space<hbm>> -> memref<1x80x128xi32, #tpu.memory_space<hbm>>
      %dma_wait3A_24 = tpu.memref_squeeze %dma_wait3A_23 : memref<1x80x128xi32, #tpu.memory_space<hbm>> -> memref<80x128xi32, #tpu.memory_space<hbm>>
      %dma_wait3A_25 = arith.constant 0 : i32
      %dma_wait3A_26 = arith.constant 0 : i32
      %dma_wait3A_27 = tpu.memref_slice %arg2[%add3A, %dma_wait3A_25, %dma_wait3A_26] : memref<32x80x128xi32, #tpu.memory_space<hbm>> -> memref<1x80x128xi32, #tpu.memory_space<hbm>>
      %dma_wait3A_28 = tpu.memref_squeeze %dma_wait3A_27 : memref<1x80x128xi32, #tpu.memory_space<hbm>> -> memref<80x128xi32, #tpu.memory_space<hbm>>
      tpu.wait_dma2 semaphore(%run_scoped3A : memref<!tpu.dma_semaphore, #tpu.memory_space<semaphore_mem>>) src(%dma_wait3A_28 : memref<80x128xi32, #tpu.memory_space<hbm>>) dst(%arg6 : memref<80x128xi32, #tpu.memory_space<vmem>>)
      tpu.yield
    }) : () -> ()
    "tpu.region"() ({
      %run_scoped3A = tpu.sem_alloc : memref<!tpu.dma_semaphore, #tpu.memory_space<semaphore_mem>>
      tpu.enqueue_dma source(%arg3 : memref<128x128xf32, #tpu.memory_space<hbm>>) target(%arg7 : memref<128x128xf32, #tpu.memory_space<vmem>>) target_semaphore(%run_scoped3A : memref<!tpu.dma_semaphore, #tpu.memory_space<semaphore_mem>>)
      tpu.wait_dma2 semaphore(%run_scoped3A : memref<!tpu.dma_semaphore, #tpu.memory_space<semaphore_mem>>) src(%arg3 : memref<128x128xf32, #tpu.memory_space<hbm>>) dst(%arg7 : memref<128x128xf32, #tpu.memory_space<vmem>>)
      tpu.yield
    }) : () -> ()
    %mul3A_1 = arith.constant 640 : i32
    %mul3A_2 = arith.muli %arg1, %mul3A_1 : i32
    %mul3A_3 = arith.constant 640 : i32
    %mul3A_4 = arith.muli %arg1, %mul3A_3 : i32
    "tpu.region"() ({
      %run_scoped3A = tpu.sem_alloc : memref<!tpu.dma_semaphore, #tpu.memory_space<semaphore_mem>>
      %dma_start3A = arith.constant 0 : i32
      %dma_start3A_15 = tpu.memref_slice %arg8[%mul3A_4, %dma_start3A] : memref<10240x128xf32, #tpu.memory_space<vmem_shared>> -> memref<640x128xf32, #tpu.memory_space<vmem_shared>>
      %dma_start3A_16 = arith.constant 0 : i32
      %dma_start3A_17 = tpu.memref_slice %arg4[%mul3A_2, %dma_start3A_16] : memref<10240x128xf32, #tpu.memory_space<hbm>> -> memref<640x128xf32, #tpu.memory_space<hbm>>
      tpu.enqueue_dma source(%dma_start3A_17 : memref<640x128xf32, #tpu.memory_space<hbm>>) target(%dma_start3A_15 : memref<640x128xf32, #tpu.memory_space<vmem_shared>>) target_semaphore(%run_scoped3A : memref<!tpu.dma_semaphore, #tpu.memory_space<semaphore_mem>>)
      %dma_wait3A = arith.constant 0 : i32
      %dma_wait3A_18 = tpu.memref_slice %arg8[%mul3A_4, %dma_wait3A] : memref<10240x128xf32, #tpu.memory_space<vmem_shared>> -> memref<640x128xf32, #tpu.memory_space<vmem_shared>>
      %dma_wait3A_19 = arith.constant 0 : i32
      %dma_wait3A_20 = tpu.memref_slice %arg4[%mul3A_2, %dma_wait3A_19] : memref<10240x128xf32, #tpu.memory_space<hbm>> -> memref<640x128xf32, #tpu.memory_space<hbm>>
      tpu.wait_dma2 semaphore(%run_scoped3A : memref<!tpu.dma_semaphore, #tpu.memory_space<semaphore_mem>>) src(%dma_wait3A_20 : memref<640x128xf32, #tpu.memory_space<hbm>>) dst(%dma_wait3A_18 : memref<640x128xf32, #tpu.memory_space<vmem_shared>>)
      tpu.yield
    }) : () -> ()
    %barrier3A = arith.constant 0 : index
    tpu.barrier barrier_id(%barrier3A)
    %scan3A = arith.constant 0 : i32
    %scan3A_5 = arith.constant 0 : i32
    %scan3A_6 = arith.constant 80 : i32
    %scan3A_7 = arith.addi %scan3A_5, %scan3A_6 : i32
    %scan3A_8 = arith.constant 1 : i32
    scf.for %scan3A_15 = %scan3A_5 to %scan3A_7 step %scan3A_8  : i32 {
      "tpu.region"() ({
        %run_scoped3A = tpu.sem_alloc : memref<!tpu.dma_semaphore, #tpu.memory_space<semaphore_mem>>
        %dma_start3A = arith.constant 0 : i32
        %dma_start3A_16 = tpu.memref_slice %arg6[%scan3A_15, %dma_start3A] : memref<80x128xi32, #tpu.memory_space<vmem>> -> memref<1x128xi32, #tpu.memory_space<vmem>>
        %dma_start3A_17 = tpu.memref_squeeze %dma_start3A_16 : memref<1x128xi32, #tpu.memory_space<vmem>> -> memref<128xi32, #tpu.memory_space<vmem>>
        %dma_start3A_18 = arith.constant 0 : i32
        %dma_start3A_19 = arith.constant 0 : i32
        %dma_start3A_20 = tpu.memref_slice %arg8[%dma_start3A_18, %dma_start3A_19] : memref<10240x128xf32, #tpu.memory_space<vmem_shared>> -> memref<10240x128xf32, #tpu.memory_space<vmem_shared>>
        tpu.enqueue_indirect_dma source(%arg7 : memref<128x128xf32, #tpu.memory_space<vmem>>) target(%dma_start3A_20 : memref<10240x128xf32, #tpu.memory_space<vmem_shared>>) offsets(%dma_start3A_17 : memref<128xi32, #tpu.memory_space<vmem>>) semaphore(%run_scoped3A : memref<!tpu.dma_semaphore, #tpu.memory_space<semaphore_mem>>) {add = true}
        %dma_wait3A = arith.constant 0 : i32
        %dma_wait3A_21 = tpu.memref_slice %arg6[%scan3A_15, %dma_wait3A] : memref<80x128xi32, #tpu.memory_space<vmem>> -> memref<1x128xi32, #tpu.memory_space<vmem>>
        %dma_wait3A_22 = tpu.memref_squeeze %dma_wait3A_21 : memref<1x128xi32, #tpu.memory_space<vmem>> -> memref<128xi32, #tpu.memory_space<vmem>>
        %dma_wait3A_23 = arith.constant 0 : i32
        %dma_wait3A_24 = arith.constant 0 : i32
        %dma_wait3A_25 = tpu.memref_slice %arg8[%dma_wait3A_23, %dma_wait3A_24] : memref<10240x128xf32, #tpu.memory_space<vmem_shared>> -> memref<10240x128xf32, #tpu.memory_space<vmem_shared>>
        tpu.wait_indirect_dma semaphore(%run_scoped3A : memref<!tpu.dma_semaphore, #tpu.memory_space<semaphore_mem>>) src(%arg7 : memref<128x128xf32, #tpu.memory_space<vmem>>) dst(%dma_wait3A_25 : memref<10240x128xf32, #tpu.memory_space<vmem_shared>>)
        tpu.yield
      }) : () -> ()
    }
    %scan3A_9 = arith.constant 80 : i32
    %barrier3A_10 = arith.constant 0 : index
    tpu.barrier barrier_id(%barrier3A_10)
    %mul3A_11 = arith.constant 640 : i32
    %mul3A_12 = arith.muli %arg1, %mul3A_11 : i32
    %mul3A_13 = arith.constant 640 : i32
    %mul3A_14 = arith.muli %arg1, %mul3A_13 : i32
    "tpu.region"() ({
      %run_scoped3A = tpu.sem_alloc : memref<!tpu.dma_semaphore, #tpu.memory_space<semaphore_mem>>
      %dma_start3A = arith.constant 0 : i32
      %dma_start3A_15 = tpu.memref_slice %arg5[%arg0, %mul3A_14, %dma_start3A] : memref<2x10240x128xf32, #tpu.memory_space<hbm>> -> memref<1x640x128xf32, #tpu.memory_space<hbm>>
      %dma_start3A_16 = tpu.memref_squeeze %dma_start3A_15 : memref<1x640x128xf32, #tpu.memory_space<hbm>> -> memref<640x128xf32, #tpu.memory_space<hbm>>
      %dma_start3A_17 = arith.constant 0 : i32
      %dma_start3A_18 = tpu.memref_slice %arg8[%mul3A_12, %dma_start3A_17] : memref<10240x128xf32, #tpu.memory_space<vmem_shared>> -> memref<640x128xf32, #tpu.memory_space<vmem_shared>>
      tpu.enqueue_dma source(%dma_start3A_18 : memref<640x128xf32, #tpu.memory_space<vmem_shared>>) target(%dma_start3A_16 : memref<640x128xf32, #tpu.memory_space<hbm>>) target_semaphore(%run_scoped3A : memref<!tpu.dma_semaphore, #tpu.memory_space<semaphore_mem>>)
      %dma_wait3A = arith.constant 0 : i32
      %dma_wait3A_19 = tpu.memref_slice %arg5[%arg0, %mul3A_14, %dma_wait3A] : memref<2x10240x128xf32, #tpu.memory_space<hbm>> -> memref<1x640x128xf32, #tpu.memory_space<hbm>>
      %dma_wait3A_20 = tpu.memref_squeeze %dma_wait3A_19 : memref<1x640x128xf32, #tpu.memory_space<hbm>> -> memref<640x128xf32, #tpu.memory_space<hbm>>
      %dma_wait3A_21 = arith.constant 0 : i32
      %dma_wait3A_22 = tpu.memref_slice %arg8[%mul3A_12, %dma_wait3A_21] : memref<10240x128xf32, #tpu.memory_space<vmem_shared>> -> memref<640x128xf32, #tpu.memory_space<vmem_shared>>
      tpu.wait_dma2 semaphore(%run_scoped3A : memref<!tpu.dma_semaphore, #tpu.memory_space<semaphore_mem>>) src(%dma_wait3A_22 : memref<640x128xf32, #tpu.memory_space<vmem_shared>>) dst(%dma_wait3A_20 : memref<640x128xf32, #tpu.memory_space<hbm>>)
      tpu.yield
    }) : () -> ()
    return
  }
}

#map = affine_map<(d0, d1) -> (0, 0)>
#map1 = affine_map<(d0, d1) -> (0, 0, 0, 0)>
#map2 = affine_map<(d0, d1) -> (0, 0, 0)>
module attributes {stable_mosaic.version = 14 : i64} {
  func.func @_edge_scatter(%arg0: i32, %arg1: i32, %arg2: memref<10240x128xf32, #tpu.memory_space<hbm>>, %arg3: memref<32x2x40x128xi32, #tpu.memory_space<hbm>>, %arg4: memref<32x2x40x128xi32, #tpu.memory_space<hbm>>, %arg5: memref<10240x128xf32, #tpu.memory_space<hbm>>, %arg6: memref<2x10240x128xf32, #tpu.memory_space<hbm>>, %arg7: memref<40x128xi32, #tpu.memory_space<vmem>>, %arg8: memref<40x128xi32, #tpu.memory_space<vmem>>, %arg9: memref<128x128xf32, #tpu.memory_space<vmem>>, %arg10: memref<128x128xf32, #tpu.memory_space<vmem>>, %arg11: memref<!tpu.dma_semaphore, #tpu.memory_space<semaphore_mem>>, %arg12: memref<!tpu.dma_semaphore, #tpu.memory_space<semaphore_mem>>, %arg13: memref<10240x128xf32, #tpu.memory_space<vmem_shared>>) attributes {dimension_semantics = [#tpu.dimension_semantics<core_parallel>, #tpu.dimension_semantics<subcore_parallel>], iteration_bounds = array<i64: 2, 16>, scalar_prefetch = 0 : i64, scratch_operands = 7 : i64, tpu.core_type = #tpu.core_type<sc_vector_subcore>, window_params = [{transform_indices = #map}, {transform_indices = #map1}, {transform_indices = #map1}, {transform_indices = #map}, {transform_indices = #map2}]} {
    %mul3A = arith.constant 16 : i32
    %mul3A_0 = arith.muli %arg0, %mul3A : i32
    %add3A = arith.addi %mul3A_0, %arg1 : i32
    %mul3A_1 = arith.constant 640 : i32
    %mul3A_2 = arith.muli %arg1, %mul3A_1 : i32
    %mul3A_3 = arith.constant 640 : i32
    %mul3A_4 = arith.muli %arg1, %mul3A_3 : i32
    "tpu.region"() ({
      %run_scoped3A_37 = tpu.sem_alloc : memref<!tpu.dma_semaphore, #tpu.memory_space<semaphore_mem>>
      %dma_start3A_38 = arith.constant 0 : i32
      %dma_start3A_39 = tpu.memref_slice %arg13[%mul3A_4, %dma_start3A_38] : memref<10240x128xf32, #tpu.memory_space<vmem_shared>> -> memref<640x128xf32, #tpu.memory_space<vmem_shared>>
      %dma_start3A_40 = arith.constant 0 : i32
      %dma_start3A_41 = tpu.memref_slice %arg5[%mul3A_2, %dma_start3A_40] : memref<10240x128xf32, #tpu.memory_space<hbm>> -> memref<640x128xf32, #tpu.memory_space<hbm>>
      tpu.enqueue_dma source(%dma_start3A_41 : memref<640x128xf32, #tpu.memory_space<hbm>>) target(%dma_start3A_39 : memref<640x128xf32, #tpu.memory_space<vmem_shared>>) target_semaphore(%run_scoped3A_37 : memref<!tpu.dma_semaphore, #tpu.memory_space<semaphore_mem>>)
      %dma_wait3A = arith.constant 0 : i32
      %dma_wait3A_42 = tpu.memref_slice %arg13[%mul3A_4, %dma_wait3A] : memref<10240x128xf32, #tpu.memory_space<vmem_shared>> -> memref<640x128xf32, #tpu.memory_space<vmem_shared>>
      %dma_wait3A_43 = arith.constant 0 : i32
      %dma_wait3A_44 = tpu.memref_slice %arg5[%mul3A_2, %dma_wait3A_43] : memref<10240x128xf32, #tpu.memory_space<hbm>> -> memref<640x128xf32, #tpu.memory_space<hbm>>
      tpu.wait_dma2 semaphore(%run_scoped3A_37 : memref<!tpu.dma_semaphore, #tpu.memory_space<semaphore_mem>>) src(%dma_wait3A_44 : memref<640x128xf32, #tpu.memory_space<hbm>>) dst(%dma_wait3A_42 : memref<640x128xf32, #tpu.memory_space<vmem_shared>>)
      tpu.yield
    }) : () -> ()
    %barrier3A = arith.constant 0 : index
    tpu.barrier barrier_id(%barrier3A)
    %run_scoped3A = arith.constant 0 : i32
    "tpu.region"() ({
      %run_scoped3A_37 = tpu.sem_alloc : memref<!tpu.dma_semaphore, #tpu.memory_space<semaphore_mem>>
      %dma_start3A_38 = arith.constant 0 : i32
      %dma_start3A_39 = arith.constant 0 : i32
      %dma_start3A_40 = arith.constant 0 : i32
      %dma_start3A_41 = tpu.memref_slice %arg3[%add3A, %dma_start3A_38, %dma_start3A_39, %dma_start3A_40] : memref<32x2x40x128xi32, #tpu.memory_space<hbm>> -> memref<1x2x40x128xi32, #tpu.memory_space<hbm>>
      %dma_start3A_42 = tpu.memref_squeeze %dma_start3A_41 : memref<1x2x40x128xi32, #tpu.memory_space<hbm>> -> memref<2x40x128xi32, #tpu.memory_space<hbm>>
      %dma_start3A_43 = arith.constant 0 : i32
      %dma_start3A_44 = arith.constant 0 : i32
      %dma_start3A_45 = tpu.memref_slice %dma_start3A_42[%run_scoped3A, %dma_start3A_43, %dma_start3A_44] : memref<2x40x128xi32, #tpu.memory_space<hbm>> -> memref<1x40x128xi32, #tpu.memory_space<hbm>>
      %dma_start3A_46 = tpu.memref_squeeze %dma_start3A_45 : memref<1x40x128xi32, #tpu.memory_space<hbm>> -> memref<40x128xi32, #tpu.memory_space<hbm>>
      %dma_start3A_47 = arith.constant 0 : i32
      %dma_start3A_48 = arith.constant 0 : i32
      %dma_start3A_49 = arith.constant 0 : i32
      %dma_start3A_50 = tpu.memref_slice %arg3[%add3A, %dma_start3A_47, %dma_start3A_48, %dma_start3A_49] : memref<32x2x40x128xi32, #tpu.memory_space<hbm>> -> memref<1x2x40x128xi32, #tpu.memory_space<hbm>>
      %dma_start3A_51 = tpu.memref_squeeze %dma_start3A_50 : memref<1x2x40x128xi32, #tpu.memory_space<hbm>> -> memref<2x40x128xi32, #tpu.memory_space<hbm>>
      %dma_start3A_52 = arith.constant 0 : i32
      %dma_start3A_53 = arith.constant 0 : i32
      %dma_start3A_54 = tpu.memref_slice %dma_start3A_51[%run_scoped3A, %dma_start3A_52, %dma_start3A_53] : memref<2x40x128xi32, #tpu.memory_space<hbm>> -> memref<1x40x128xi32, #tpu.memory_space<hbm>>
      %dma_start3A_55 = tpu.memref_squeeze %dma_start3A_54 : memref<1x40x128xi32, #tpu.memory_space<hbm>> -> memref<40x128xi32, #tpu.memory_space<hbm>>
      tpu.enqueue_dma source(%dma_start3A_55 : memref<40x128xi32, #tpu.memory_space<hbm>>) target(%arg7 : memref<40x128xi32, #tpu.memory_space<vmem>>) target_semaphore(%run_scoped3A_37 : memref<!tpu.dma_semaphore, #tpu.memory_space<semaphore_mem>>)
      %dma_wait3A = arith.constant 0 : i32
      %dma_wait3A_56 = arith.constant 0 : i32
      %dma_wait3A_57 = arith.constant 0 : i32
      %dma_wait3A_58 = tpu.memref_slice %arg3[%add3A, %dma_wait3A, %dma_wait3A_56, %dma_wait3A_57] : memref<32x2x40x128xi32, #tpu.memory_space<hbm>> -> memref<1x2x40x128xi32, #tpu.memory_space<hbm>>
      %dma_wait3A_59 = tpu.memref_squeeze %dma_wait3A_58 : memref<1x2x40x128xi32, #tpu.memory_space<hbm>> -> memref<2x40x128xi32, #tpu.memory_space<hbm>>
      %dma_wait3A_60 = arith.constant 0 : i32
      %dma_wait3A_61 = arith.constant 0 : i32
      %dma_wait3A_62 = tpu.memref_slice %dma_wait3A_59[%run_scoped3A, %dma_wait3A_60, %dma_wait3A_61] : memref<2x40x128xi32, #tpu.memory_space<hbm>> -> memref<1x40x128xi32, #tpu.memory_space<hbm>>
      %dma_wait3A_63 = tpu.memref_squeeze %dma_wait3A_62 : memref<1x40x128xi32, #tpu.memory_space<hbm>> -> memref<40x128xi32, #tpu.memory_space<hbm>>
      %dma_wait3A_64 = arith.constant 0 : i32
      %dma_wait3A_65 = arith.constant 0 : i32
      %dma_wait3A_66 = arith.constant 0 : i32
      %dma_wait3A_67 = tpu.memref_slice %arg3[%add3A, %dma_wait3A_64, %dma_wait3A_65, %dma_wait3A_66] : memref<32x2x40x128xi32, #tpu.memory_space<hbm>> -> memref<1x2x40x128xi32, #tpu.memory_space<hbm>>
      %dma_wait3A_68 = tpu.memref_squeeze %dma_wait3A_67 : memref<1x2x40x128xi32, #tpu.memory_space<hbm>> -> memref<2x40x128xi32, #tpu.memory_space<hbm>>
      %dma_wait3A_69 = arith.constant 0 : i32
      %dma_wait3A_70 = arith.constant 0 : i32
      %dma_wait3A_71 = tpu.memref_slice %dma_wait3A_68[%run_scoped3A, %dma_wait3A_69, %dma_wait3A_70] : memref<2x40x128xi32, #tpu.memory_space<hbm>> -> memref<1x40x128xi32, #tpu.memory_space<hbm>>
      %dma_wait3A_72 = tpu.memref_squeeze %dma_wait3A_71 : memref<1x40x128xi32, #tpu.memory_space<hbm>> -> memref<40x128xi32, #tpu.memory_space<hbm>>
      tpu.wait_dma2 semaphore(%run_scoped3A_37 : memref<!tpu.dma_semaphore, #tpu.memory_space<semaphore_mem>>) src(%dma_wait3A_72 : memref<40x128xi32, #tpu.memory_space<hbm>>) dst(%arg7 : memref<40x128xi32, #tpu.memory_space<vmem>>)
      tpu.yield
    }) : () -> ()
    %run_scoped3A_5 = arith.constant 0 : i32
    "tpu.region"() ({
      %run_scoped3A_37 = tpu.sem_alloc : memref<!tpu.dma_semaphore, #tpu.memory_space<semaphore_mem>>
      %dma_start3A_38 = arith.constant 0 : i32
      %dma_start3A_39 = arith.constant 0 : i32
      %dma_start3A_40 = arith.constant 0 : i32
      %dma_start3A_41 = tpu.memref_slice %arg4[%add3A, %dma_start3A_38, %dma_start3A_39, %dma_start3A_40] : memref<32x2x40x128xi32, #tpu.memory_space<hbm>> -> memref<1x2x40x128xi32, #tpu.memory_space<hbm>>
      %dma_start3A_42 = tpu.memref_squeeze %dma_start3A_41 : memref<1x2x40x128xi32, #tpu.memory_space<hbm>> -> memref<2x40x128xi32, #tpu.memory_space<hbm>>
      %dma_start3A_43 = arith.constant 0 : i32
      %dma_start3A_44 = arith.constant 0 : i32
      %dma_start3A_45 = tpu.memref_slice %dma_start3A_42[%run_scoped3A_5, %dma_start3A_43, %dma_start3A_44] : memref<2x40x128xi32, #tpu.memory_space<hbm>> -> memref<1x40x128xi32, #tpu.memory_space<hbm>>
      %dma_start3A_46 = tpu.memref_squeeze %dma_start3A_45 : memref<1x40x128xi32, #tpu.memory_space<hbm>> -> memref<40x128xi32, #tpu.memory_space<hbm>>
      %dma_start3A_47 = arith.constant 0 : i32
      %dma_start3A_48 = arith.constant 0 : i32
      %dma_start3A_49 = arith.constant 0 : i32
      %dma_start3A_50 = tpu.memref_slice %arg4[%add3A, %dma_start3A_47, %dma_start3A_48, %dma_start3A_49] : memref<32x2x40x128xi32, #tpu.memory_space<hbm>> -> memref<1x2x40x128xi32, #tpu.memory_space<hbm>>
      %dma_start3A_51 = tpu.memref_squeeze %dma_start3A_50 : memref<1x2x40x128xi32, #tpu.memory_space<hbm>> -> memref<2x40x128xi32, #tpu.memory_space<hbm>>
      %dma_start3A_52 = arith.constant 0 : i32
      %dma_start3A_53 = arith.constant 0 : i32
      %dma_start3A_54 = tpu.memref_slice %dma_start3A_51[%run_scoped3A_5, %dma_start3A_52, %dma_start3A_53] : memref<2x40x128xi32, #tpu.memory_space<hbm>> -> memref<1x40x128xi32, #tpu.memory_space<hbm>>
      %dma_start3A_55 = tpu.memref_squeeze %dma_start3A_54 : memref<1x40x128xi32, #tpu.memory_space<hbm>> -> memref<40x128xi32, #tpu.memory_space<hbm>>
      tpu.enqueue_dma source(%dma_start3A_55 : memref<40x128xi32, #tpu.memory_space<hbm>>) target(%arg8 : memref<40x128xi32, #tpu.memory_space<vmem>>) target_semaphore(%run_scoped3A_37 : memref<!tpu.dma_semaphore, #tpu.memory_space<semaphore_mem>>)
      %dma_wait3A = arith.constant 0 : i32
      %dma_wait3A_56 = arith.constant 0 : i32
      %dma_wait3A_57 = arith.constant 0 : i32
      %dma_wait3A_58 = tpu.memref_slice %arg4[%add3A, %dma_wait3A, %dma_wait3A_56, %dma_wait3A_57] : memref<32x2x40x128xi32, #tpu.memory_space<hbm>> -> memref<1x2x40x128xi32, #tpu.memory_space<hbm>>
      %dma_wait3A_59 = tpu.memref_squeeze %dma_wait3A_58 : memref<1x2x40x128xi32, #tpu.memory_space<hbm>> -> memref<2x40x128xi32, #tpu.memory_space<hbm>>
      %dma_wait3A_60 = arith.constant 0 : i32
      %dma_wait3A_61 = arith.constant 0 : i32
      %dma_wait3A_62 = tpu.memref_slice %dma_wait3A_59[%run_scoped3A_5, %dma_wait3A_60, %dma_wait3A_61] : memref<2x40x128xi32, #tpu.memory_space<hbm>> -> memref<1x40x128xi32, #tpu.memory_space<hbm>>
      %dma_wait3A_63 = tpu.memref_squeeze %dma_wait3A_62 : memref<1x40x128xi32, #tpu.memory_space<hbm>> -> memref<40x128xi32, #tpu.memory_space<hbm>>
      %dma_wait3A_64 = arith.constant 0 : i32
      %dma_wait3A_65 = arith.constant 0 : i32
      %dma_wait3A_66 = arith.constant 0 : i32
      %dma_wait3A_67 = tpu.memref_slice %arg4[%add3A, %dma_wait3A_64, %dma_wait3A_65, %dma_wait3A_66] : memref<32x2x40x128xi32, #tpu.memory_space<hbm>> -> memref<1x2x40x128xi32, #tpu.memory_space<hbm>>
      %dma_wait3A_68 = tpu.memref_squeeze %dma_wait3A_67 : memref<1x2x40x128xi32, #tpu.memory_space<hbm>> -> memref<2x40x128xi32, #tpu.memory_space<hbm>>
      %dma_wait3A_69 = arith.constant 0 : i32
      %dma_wait3A_70 = arith.constant 0 : i32
      %dma_wait3A_71 = tpu.memref_slice %dma_wait3A_68[%run_scoped3A_5, %dma_wait3A_69, %dma_wait3A_70] : memref<2x40x128xi32, #tpu.memory_space<hbm>> -> memref<1x40x128xi32, #tpu.memory_space<hbm>>
      %dma_wait3A_72 = tpu.memref_squeeze %dma_wait3A_71 : memref<1x40x128xi32, #tpu.memory_space<hbm>> -> memref<40x128xi32, #tpu.memory_space<hbm>>
      tpu.wait_dma2 semaphore(%run_scoped3A_37 : memref<!tpu.dma_semaphore, #tpu.memory_space<semaphore_mem>>) src(%dma_wait3A_72 : memref<40x128xi32, #tpu.memory_space<hbm>>) dst(%arg8 : memref<40x128xi32, #tpu.memory_space<vmem>>)
      tpu.yield
    }) : () -> ()
    %dma_start3A = arith.constant 0 : i32
    %dma_start3A_6 = arith.constant 0 : i32
    %dma_start3A_7 = tpu.memref_slice %arg7[%dma_start3A, %dma_start3A_6] : memref<40x128xi32, #tpu.memory_space<vmem>> -> memref<1x128xi32, #tpu.memory_space<vmem>>
    %dma_start3A_8 = tpu.memref_squeeze %dma_start3A_7 : memref<1x128xi32, #tpu.memory_space<vmem>> -> memref<128xi32, #tpu.memory_space<vmem>>
    %dma_start3A_9 = arith.constant 0 : i32
    %dma_start3A_10 = arith.constant 0 : i32
    %dma_start3A_11 = tpu.memref_slice %arg2[%dma_start3A_9, %dma_start3A_10] : memref<10240x128xf32, #tpu.memory_space<hbm>> -> memref<10240x128xf32, #tpu.memory_space<hbm>>
    tpu.enqueue_indirect_dma source(%dma_start3A_11 : memref<10240x128xf32, #tpu.memory_space<hbm>>) target(%arg9 : memref<128x128xf32, #tpu.memory_space<vmem>>) offsets(%dma_start3A_8 : memref<128xi32, #tpu.memory_space<vmem>>) semaphore(%arg11 : memref<!tpu.dma_semaphore, #tpu.memory_space<semaphore_mem>>)
    %scan3A = arith.constant 0 : i32
    %scan3A_12 = arith.constant 0 : i32
    %scan3A_13 = arith.constant 20 : i32
    %scan3A_14 = arith.addi %scan3A_12, %scan3A_13 : i32
    %scan3A_15 = arith.constant 1 : i32
    scf.for %scan3A_37 = %scan3A_12 to %scan3A_14 step %scan3A_15  : i32 {
      %mul3A_38 = arith.constant 2 : i32
      %mul3A_39 = arith.muli %scan3A_37, %mul3A_38 : i32
      %add3A_40 = arith.constant 0 : i32
      %add3A_41 = arith.addi %mul3A_39, %add3A_40 : i32
      %add3A_42 = arith.constant 1 : i32
      %add3A_43 = arith.addi %add3A_41, %add3A_42 : i32
      %lt3A = arith.constant 40 : i32
      %lt3A_44 = arith.cmpi slt, %add3A_43, %lt3A : i32
      %convert_element_type3A = arith.extui %lt3A_44 : i1 to i32
      %cond3A = arith.constant 0 : i32
      %cond3A_45 = arith.cmpi ne, %convert_element_type3A, %cond3A : i32
      scf.if %cond3A_45 {
        %dma_start3A_68 = arith.constant 0 : i32
        %dma_start3A_69 = tpu.memref_slice %arg7[%add3A_43, %dma_start3A_68] : memref<40x128xi32, #tpu.memory_space<vmem>> -> memref<1x128xi32, #tpu.memory_space<vmem>>
        %dma_start3A_70 = tpu.memref_squeeze %dma_start3A_69 : memref<1x128xi32, #tpu.memory_space<vmem>> -> memref<128xi32, #tpu.memory_space<vmem>>
        %dma_start3A_71 = arith.constant 0 : i32
        %dma_start3A_72 = arith.constant 0 : i32
        %dma_start3A_73 = tpu.memref_slice %arg2[%dma_start3A_71, %dma_start3A_72] : memref<10240x128xf32, #tpu.memory_space<hbm>> -> memref<10240x128xf32, #tpu.memory_space<hbm>>
        tpu.enqueue_indirect_dma source(%dma_start3A_73 : memref<10240x128xf32, #tpu.memory_space<hbm>>) target(%arg10 : memref<128x128xf32, #tpu.memory_space<vmem>>) offsets(%dma_start3A_70 : memref<128xi32, #tpu.memory_space<vmem>>) semaphore(%arg12 : memref<!tpu.dma_semaphore, #tpu.memory_space<semaphore_mem>>)
      } else {
      }
      %dma_wait3A = arith.constant 0 : i32
      %dma_wait3A_46 = tpu.memref_slice %arg7[%add3A_41, %dma_wait3A] : memref<40x128xi32, #tpu.memory_space<vmem>> -> memref<1x128xi32, #tpu.memory_space<vmem>>
      %dma_wait3A_47 = tpu.memref_squeeze %dma_wait3A_46 : memref<1x128xi32, #tpu.memory_space<vmem>> -> memref<128xi32, #tpu.memory_space<vmem>>
      %dma_wait3A_48 = arith.constant 0 : i32
      %dma_wait3A_49 = arith.constant 0 : i32
      %dma_wait3A_50 = tpu.memref_slice %arg2[%dma_wait3A_48, %dma_wait3A_49] : memref<10240x128xf32, #tpu.memory_space<hbm>> -> memref<10240x128xf32, #tpu.memory_space<hbm>>
      tpu.wait_indirect_dma semaphore(%arg11 : memref<!tpu.dma_semaphore, #tpu.memory_space<semaphore_mem>>) src(%dma_wait3A_50 : memref<10240x128xf32, #tpu.memory_space<hbm>>) dst(%arg9 : memref<128x128xf32, #tpu.memory_space<vmem>>)
      "tpu.region"() ({
        %run_scoped3A_68 = tpu.sem_alloc : memref<!tpu.dma_semaphore, #tpu.memory_space<semaphore_mem>>
        %dma_start3A_69 = arith.constant 0 : i32
        %dma_start3A_70 = tpu.memref_slice %arg8[%add3A_41, %dma_start3A_69] : memref<40x128xi32, #tpu.memory_space<vmem>> -> memref<1x128xi32, #tpu.memory_space<vmem>>
        %dma_start3A_71 = tpu.memref_squeeze %dma_start3A_70 : memref<1x128xi32, #tpu.memory_space<vmem>> -> memref<128xi32, #tpu.memory_space<vmem>>
        %dma_start3A_72 = arith.constant 0 : i32
        %dma_start3A_73 = arith.constant 0 : i32
        %dma_start3A_74 = tpu.memref_slice %arg13[%dma_start3A_72, %dma_start3A_73] : memref<10240x128xf32, #tpu.memory_space<vmem_shared>> -> memref<10240x128xf32, #tpu.memory_space<vmem_shared>>
        tpu.enqueue_indirect_dma source(%arg9 : memref<128x128xf32, #tpu.memory_space<vmem>>) target(%dma_start3A_74 : memref<10240x128xf32, #tpu.memory_space<vmem_shared>>) offsets(%dma_start3A_71 : memref<128xi32, #tpu.memory_space<vmem>>) semaphore(%run_scoped3A_68 : memref<!tpu.dma_semaphore, #tpu.memory_space<semaphore_mem>>) {add = true}
        %dma_wait3A_75 = arith.constant 0 : i32
        %dma_wait3A_76 = tpu.memref_slice %arg8[%add3A_41, %dma_wait3A_75] : memref<40x128xi32, #tpu.memory_space<vmem>> -> memref<1x128xi32, #tpu.memory_space<vmem>>
        %dma_wait3A_77 = tpu.memref_squeeze %dma_wait3A_76 : memref<1x128xi32, #tpu.memory_space<vmem>> -> memref<128xi32, #tpu.memory_space<vmem>>
        %dma_wait3A_78 = arith.constant 0 : i32
        %dma_wait3A_79 = arith.constant 0 : i32
        %dma_wait3A_80 = tpu.memref_slice %arg13[%dma_wait3A_78, %dma_wait3A_79] : memref<10240x128xf32, #tpu.memory_space<vmem_shared>> -> memref<10240x128xf32, #tpu.memory_space<vmem_shared>>
        tpu.wait_indirect_dma semaphore(%run_scoped3A_68 : memref<!tpu.dma_semaphore, #tpu.memory_space<semaphore_mem>>) src(%arg9 : memref<128x128xf32, #tpu.memory_space<vmem>>) dst(%dma_wait3A_80 : memref<10240x128xf32, #tpu.memory_space<vmem_shared>>)
        tpu.yield
      }) : () -> ()
      %mul3A_51 = arith.constant 2 : i32
      %mul3A_52 = arith.muli %scan3A_37, %mul3A_51 : i32
      %add3A_53 = arith.constant 1 : i32
      %add3A_54 = arith.addi %mul3A_52, %add3A_53 : i32
      %add3A_55 = arith.constant 1 : i32
      %add3A_56 = arith.addi %add3A_54, %add3A_55 : i32
      %lt3A_57 = arith.constant 40 : i32
      %lt3A_58 = arith.cmpi slt, %add3A_56, %lt3A_57 : i32
      %convert_element_type3A_59 = arith.extui %lt3A_58 : i1 to i32
      %cond3A_60 = arith.constant 0 : i32
      %cond3A_61 = arith.cmpi ne, %convert_element_type3A_59, %cond3A_60 : i32
      scf.if %cond3A_61 {
        %dma_start3A_68 = arith.constant 0 : i32
        %dma_start3A_69 = tpu.memref_slice %arg7[%add3A_56, %dma_start3A_68] : memref<40x128xi32, #tpu.memory_space<vmem>> -> memref<1x128xi32, #tpu.memory_space<vmem>>
        %dma_start3A_70 = tpu.memref_squeeze %dma_start3A_69 : memref<1x128xi32, #tpu.memory_space<vmem>> -> memref<128xi32, #tpu.memory_space<vmem>>
        %dma_start3A_71 = arith.constant 0 : i32
        %dma_start3A_72 = arith.constant 0 : i32
        %dma_start3A_73 = tpu.memref_slice %arg2[%dma_start3A_71, %dma_start3A_72] : memref<10240x128xf32, #tpu.memory_space<hbm>> -> memref<10240x128xf32, #tpu.memory_space<hbm>>
        tpu.enqueue_indirect_dma source(%dma_start3A_73 : memref<10240x128xf32, #tpu.memory_space<hbm>>) target(%arg9 : memref<128x128xf32, #tpu.memory_space<vmem>>) offsets(%dma_start3A_70 : memref<128xi32, #tpu.memory_space<vmem>>) semaphore(%arg11 : memref<!tpu.dma_semaphore, #tpu.memory_space<semaphore_mem>>)
      } else {
      }
      %dma_wait3A_62 = arith.constant 0 : i32
      %dma_wait3A_63 = tpu.memref_slice %arg7[%add3A_54, %dma_wait3A_62] : memref<40x128xi32, #tpu.memory_space<vmem>> -> memref<1x128xi32, #tpu.memory_space<vmem>>
      %dma_wait3A_64 = tpu.memref_squeeze %dma_wait3A_63 : memref<1x128xi32, #tpu.memory_space<vmem>> -> memref<128xi32, #tpu.memory_space<vmem>>
      %dma_wait3A_65 = arith.constant 0 : i32
      %dma_wait3A_66 = arith.constant 0 : i32
      %dma_wait3A_67 = tpu.memref_slice %arg2[%dma_wait3A_65, %dma_wait3A_66] : memref<10240x128xf32, #tpu.memory_space<hbm>> -> memref<10240x128xf32, #tpu.memory_space<hbm>>
      tpu.wait_indirect_dma semaphore(%arg12 : memref<!tpu.dma_semaphore, #tpu.memory_space<semaphore_mem>>) src(%dma_wait3A_67 : memref<10240x128xf32, #tpu.memory_space<hbm>>) dst(%arg10 : memref<128x128xf32, #tpu.memory_space<vmem>>)
      "tpu.region"() ({
        %run_scoped3A_68 = tpu.sem_alloc : memref<!tpu.dma_semaphore, #tpu.memory_space<semaphore_mem>>
        %dma_start3A_69 = arith.constant 0 : i32
        %dma_start3A_70 = tpu.memref_slice %arg8[%add3A_54, %dma_start3A_69] : memref<40x128xi32, #tpu.memory_space<vmem>> -> memref<1x128xi32, #tpu.memory_space<vmem>>
        %dma_start3A_71 = tpu.memref_squeeze %dma_start3A_70 : memref<1x128xi32, #tpu.memory_space<vmem>> -> memref<128xi32, #tpu.memory_space<vmem>>
        %dma_start3A_72 = arith.constant 0 : i32
        %dma_start3A_73 = arith.constant 0 : i32
        %dma_start3A_74 = tpu.memref_slice %arg13[%dma_start3A_72, %dma_start3A_73] : memref<10240x128xf32, #tpu.memory_space<vmem_shared>> -> memref<10240x128xf32, #tpu.memory_space<vmem_shared>>
        tpu.enqueue_indirect_dma source(%arg10 : memref<128x128xf32, #tpu.memory_space<vmem>>) target(%dma_start3A_74 : memref<10240x128xf32, #tpu.memory_space<vmem_shared>>) offsets(%dma_start3A_71 : memref<128xi32, #tpu.memory_space<vmem>>) semaphore(%run_scoped3A_68 : memref<!tpu.dma_semaphore, #tpu.memory_space<semaphore_mem>>) {add = true}
        %dma_wait3A_75 = arith.constant 0 : i32
        %dma_wait3A_76 = tpu.memref_slice %arg8[%add3A_54, %dma_wait3A_75] : memref<40x128xi32, #tpu.memory_space<vmem>> -> memref<1x128xi32, #tpu.memory_space<vmem>>
        %dma_wait3A_77 = tpu.memref_squeeze %dma_wait3A_76 : memref<1x128xi32, #tpu.memory_space<vmem>> -> memref<128xi32, #tpu.memory_space<vmem>>
        %dma_wait3A_78 = arith.constant 0 : i32
        %dma_wait3A_79 = arith.constant 0 : i32
        %dma_wait3A_80 = tpu.memref_slice %arg13[%dma_wait3A_78, %dma_wait3A_79] : memref<10240x128xf32, #tpu.memory_space<vmem_shared>> -> memref<10240x128xf32, #tpu.memory_space<vmem_shared>>
        tpu.wait_indirect_dma semaphore(%run_scoped3A_68 : memref<!tpu.dma_semaphore, #tpu.memory_space<semaphore_mem>>) src(%arg10 : memref<128x128xf32, #tpu.memory_space<vmem>>) dst(%dma_wait3A_80 : memref<10240x128xf32, #tpu.memory_space<vmem_shared>>)
        tpu.yield
      }) : () -> ()
    }
    %scan3A_16 = arith.constant 20 : i32
    %run_scoped3A_17 = arith.constant 1 : i32
    "tpu.region"() ({
      %run_scoped3A_37 = tpu.sem_alloc : memref<!tpu.dma_semaphore, #tpu.memory_space<semaphore_mem>>
      %dma_start3A_38 = arith.constant 0 : i32
      %dma_start3A_39 = arith.constant 0 : i32
      %dma_start3A_40 = arith.constant 0 : i32
      %dma_start3A_41 = tpu.memref_slice %arg3[%add3A, %dma_start3A_38, %dma_start3A_39, %dma_start3A_40] : memref<32x2x40x128xi32, #tpu.memory_space<hbm>> -> memref<1x2x40x128xi32, #tpu.memory_space<hbm>>
      %dma_start3A_42 = tpu.memref_squeeze %dma_start3A_41 : memref<1x2x40x128xi32, #tpu.memory_space<hbm>> -> memref<2x40x128xi32, #tpu.memory_space<hbm>>
      %dma_start3A_43 = arith.constant 0 : i32
      %dma_start3A_44 = arith.constant 0 : i32
      %dma_start3A_45 = tpu.memref_slice %dma_start3A_42[%run_scoped3A_17, %dma_start3A_43, %dma_start3A_44] : memref<2x40x128xi32, #tpu.memory_space<hbm>> -> memref<1x40x128xi32, #tpu.memory_space<hbm>>
      %dma_start3A_46 = tpu.memref_squeeze %dma_start3A_45 : memref<1x40x128xi32, #tpu.memory_space<hbm>> -> memref<40x128xi32, #tpu.memory_space<hbm>>
      %dma_start3A_47 = arith.constant 0 : i32
      %dma_start3A_48 = arith.constant 0 : i32
      %dma_start3A_49 = arith.constant 0 : i32
      %dma_start3A_50 = tpu.memref_slice %arg3[%add3A, %dma_start3A_47, %dma_start3A_48, %dma_start3A_49] : memref<32x2x40x128xi32, #tpu.memory_space<hbm>> -> memref<1x2x40x128xi32, #tpu.memory_space<hbm>>
      %dma_start3A_51 = tpu.memref_squeeze %dma_start3A_50 : memref<1x2x40x128xi32, #tpu.memory_space<hbm>> -> memref<2x40x128xi32, #tpu.memory_space<hbm>>
      %dma_start3A_52 = arith.constant 0 : i32
      %dma_start3A_53 = arith.constant 0 : i32
      %dma_start3A_54 = tpu.memref_slice %dma_start3A_51[%run_scoped3A_17, %dma_start3A_52, %dma_start3A_53] : memref<2x40x128xi32, #tpu.memory_space<hbm>> -> memref<1x40x128xi32, #tpu.memory_space<hbm>>
      %dma_start3A_55 = tpu.memref_squeeze %dma_start3A_54 : memref<1x40x128xi32, #tpu.memory_space<hbm>> -> memref<40x128xi32, #tpu.memory_space<hbm>>
      tpu.enqueue_dma source(%dma_start3A_55 : memref<40x128xi32, #tpu.memory_space<hbm>>) target(%arg7 : memref<40x128xi32, #tpu.memory_space<vmem>>) target_semaphore(%run_scoped3A_37 : memref<!tpu.dma_semaphore, #tpu.memory_space<semaphore_mem>>)
      %dma_wait3A = arith.constant 0 : i32
      %dma_wait3A_56 = arith.constant 0 : i32
      %dma_wait3A_57 = arith.constant 0 : i32
      %dma_wait3A_58 = tpu.memref_slice %arg3[%add3A, %dma_wait3A, %dma_wait3A_56, %dma_wait3A_57] : memref<32x2x40x128xi32, #tpu.memory_space<hbm>> -> memref<1x2x40x128xi32, #tpu.memory_space<hbm>>
      %dma_wait3A_59 = tpu.memref_squeeze %dma_wait3A_58 : memref<1x2x40x128xi32, #tpu.memory_space<hbm>> -> memref<2x40x128xi32, #tpu.memory_space<hbm>>
      %dma_wait3A_60 = arith.constant 0 : i32
      %dma_wait3A_61 = arith.constant 0 : i32
      %dma_wait3A_62 = tpu.memref_slice %dma_wait3A_59[%run_scoped3A_17, %dma_wait3A_60, %dma_wait3A_61] : memref<2x40x128xi32, #tpu.memory_space<hbm>> -> memref<1x40x128xi32, #tpu.memory_space<hbm>>
      %dma_wait3A_63 = tpu.memref_squeeze %dma_wait3A_62 : memref<1x40x128xi32, #tpu.memory_space<hbm>> -> memref<40x128xi32, #tpu.memory_space<hbm>>
      %dma_wait3A_64 = arith.constant 0 : i32
      %dma_wait3A_65 = arith.constant 0 : i32
      %dma_wait3A_66 = arith.constant 0 : i32
      %dma_wait3A_67 = tpu.memref_slice %arg3[%add3A, %dma_wait3A_64, %dma_wait3A_65, %dma_wait3A_66] : memref<32x2x40x128xi32, #tpu.memory_space<hbm>> -> memref<1x2x40x128xi32, #tpu.memory_space<hbm>>
      %dma_wait3A_68 = tpu.memref_squeeze %dma_wait3A_67 : memref<1x2x40x128xi32, #tpu.memory_space<hbm>> -> memref<2x40x128xi32, #tpu.memory_space<hbm>>
      %dma_wait3A_69 = arith.constant 0 : i32
      %dma_wait3A_70 = arith.constant 0 : i32
      %dma_wait3A_71 = tpu.memref_slice %dma_wait3A_68[%run_scoped3A_17, %dma_wait3A_69, %dma_wait3A_70] : memref<2x40x128xi32, #tpu.memory_space<hbm>> -> memref<1x40x128xi32, #tpu.memory_space<hbm>>
      %dma_wait3A_72 = tpu.memref_squeeze %dma_wait3A_71 : memref<1x40x128xi32, #tpu.memory_space<hbm>> -> memref<40x128xi32, #tpu.memory_space<hbm>>
      tpu.wait_dma2 semaphore(%run_scoped3A_37 : memref<!tpu.dma_semaphore, #tpu.memory_space<semaphore_mem>>) src(%dma_wait3A_72 : memref<40x128xi32, #tpu.memory_space<hbm>>) dst(%arg7 : memref<40x128xi32, #tpu.memory_space<vmem>>)
      tpu.yield
    }) : () -> ()
    %run_scoped3A_18 = arith.constant 1 : i32
    "tpu.region"() ({
      %run_scoped3A_37 = tpu.sem_alloc : memref<!tpu.dma_semaphore, #tpu.memory_space<semaphore_mem>>
      %dma_start3A_38 = arith.constant 0 : i32
      %dma_start3A_39 = arith.constant 0 : i32
      %dma_start3A_40 = arith.constant 0 : i32
      %dma_start3A_41 = tpu.memref_slice %arg4[%add3A, %dma_start3A_38, %dma_start3A_39, %dma_start3A_40] : memref<32x2x40x128xi32, #tpu.memory_space<hbm>> -> memref<1x2x40x128xi32, #tpu.memory_space<hbm>>
      %dma_start3A_42 = tpu.memref_squeeze %dma_start3A_41 : memref<1x2x40x128xi32, #tpu.memory_space<hbm>> -> memref<2x40x128xi32, #tpu.memory_space<hbm>>
      %dma_start3A_43 = arith.constant 0 : i32
      %dma_start3A_44 = arith.constant 0 : i32
      %dma_start3A_45 = tpu.memref_slice %dma_start3A_42[%run_scoped3A_18, %dma_start3A_43, %dma_start3A_44] : memref<2x40x128xi32, #tpu.memory_space<hbm>> -> memref<1x40x128xi32, #tpu.memory_space<hbm>>
      %dma_start3A_46 = tpu.memref_squeeze %dma_start3A_45 : memref<1x40x128xi32, #tpu.memory_space<hbm>> -> memref<40x128xi32, #tpu.memory_space<hbm>>
      %dma_start3A_47 = arith.constant 0 : i32
      %dma_start3A_48 = arith.constant 0 : i32
      %dma_start3A_49 = arith.constant 0 : i32
      %dma_start3A_50 = tpu.memref_slice %arg4[%add3A, %dma_start3A_47, %dma_start3A_48, %dma_start3A_49] : memref<32x2x40x128xi32, #tpu.memory_space<hbm>> -> memref<1x2x40x128xi32, #tpu.memory_space<hbm>>
      %dma_start3A_51 = tpu.memref_squeeze %dma_start3A_50 : memref<1x2x40x128xi32, #tpu.memory_space<hbm>> -> memref<2x40x128xi32, #tpu.memory_space<hbm>>
      %dma_start3A_52 = arith.constant 0 : i32
      %dma_start3A_53 = arith.constant 0 : i32
      %dma_start3A_54 = tpu.memref_slice %dma_start3A_51[%run_scoped3A_18, %dma_start3A_52, %dma_start3A_53] : memref<2x40x128xi32, #tpu.memory_space<hbm>> -> memref<1x40x128xi32, #tpu.memory_space<hbm>>
      %dma_start3A_55 = tpu.memref_squeeze %dma_start3A_54 : memref<1x40x128xi32, #tpu.memory_space<hbm>> -> memref<40x128xi32, #tpu.memory_space<hbm>>
      tpu.enqueue_dma source(%dma_start3A_55 : memref<40x128xi32, #tpu.memory_space<hbm>>) target(%arg8 : memref<40x128xi32, #tpu.memory_space<vmem>>) target_semaphore(%run_scoped3A_37 : memref<!tpu.dma_semaphore, #tpu.memory_space<semaphore_mem>>)
      %dma_wait3A = arith.constant 0 : i32
      %dma_wait3A_56 = arith.constant 0 : i32
      %dma_wait3A_57 = arith.constant 0 : i32
      %dma_wait3A_58 = tpu.memref_slice %arg4[%add3A, %dma_wait3A, %dma_wait3A_56, %dma_wait3A_57] : memref<32x2x40x128xi32, #tpu.memory_space<hbm>> -> memref<1x2x40x128xi32, #tpu.memory_space<hbm>>
      %dma_wait3A_59 = tpu.memref_squeeze %dma_wait3A_58 : memref<1x2x40x128xi32, #tpu.memory_space<hbm>> -> memref<2x40x128xi32, #tpu.memory_space<hbm>>
      %dma_wait3A_60 = arith.constant 0 : i32
      %dma_wait3A_61 = arith.constant 0 : i32
      %dma_wait3A_62 = tpu.memref_slice %dma_wait3A_59[%run_scoped3A_18, %dma_wait3A_60, %dma_wait3A_61] : memref<2x40x128xi32, #tpu.memory_space<hbm>> -> memref<1x40x128xi32, #tpu.memory_space<hbm>>
      %dma_wait3A_63 = tpu.memref_squeeze %dma_wait3A_62 : memref<1x40x128xi32, #tpu.memory_space<hbm>> -> memref<40x128xi32, #tpu.memory_space<hbm>>
      %dma_wait3A_64 = arith.constant 0 : i32
      %dma_wait3A_65 = arith.constant 0 : i32
      %dma_wait3A_66 = arith.constant 0 : i32
      %dma_wait3A_67 = tpu.memref_slice %arg4[%add3A, %dma_wait3A_64, %dma_wait3A_65, %dma_wait3A_66] : memref<32x2x40x128xi32, #tpu.memory_space<hbm>> -> memref<1x2x40x128xi32, #tpu.memory_space<hbm>>
      %dma_wait3A_68 = tpu.memref_squeeze %dma_wait3A_67 : memref<1x2x40x128xi32, #tpu.memory_space<hbm>> -> memref<2x40x128xi32, #tpu.memory_space<hbm>>
      %dma_wait3A_69 = arith.constant 0 : i32
      %dma_wait3A_70 = arith.constant 0 : i32
      %dma_wait3A_71 = tpu.memref_slice %dma_wait3A_68[%run_scoped3A_18, %dma_wait3A_69, %dma_wait3A_70] : memref<2x40x128xi32, #tpu.memory_space<hbm>> -> memref<1x40x128xi32, #tpu.memory_space<hbm>>
      %dma_wait3A_72 = tpu.memref_squeeze %dma_wait3A_71 : memref<1x40x128xi32, #tpu.memory_space<hbm>> -> memref<40x128xi32, #tpu.memory_space<hbm>>
      tpu.wait_dma2 semaphore(%run_scoped3A_37 : memref<!tpu.dma_semaphore, #tpu.memory_space<semaphore_mem>>) src(%dma_wait3A_72 : memref<40x128xi32, #tpu.memory_space<hbm>>) dst(%arg8 : memref<40x128xi32, #tpu.memory_space<vmem>>)
      tpu.yield
    }) : () -> ()
    %dma_start3A_19 = arith.constant 0 : i32
    %dma_start3A_20 = arith.constant 0 : i32
    %dma_start3A_21 = tpu.memref_slice %arg7[%dma_start3A_19, %dma_start3A_20] : memref<40x128xi32, #tpu.memory_space<vmem>> -> memref<1x128xi32, #tpu.memory_space<vmem>>
    %dma_start3A_22 = tpu.memref_squeeze %dma_start3A_21 : memref<1x128xi32, #tpu.memory_space<vmem>> -> memref<128xi32, #tpu.memory_space<vmem>>
    %dma_start3A_23 = arith.constant 0 : i32
    %dma_start3A_24 = arith.constant 0 : i32
    %dma_start3A_25 = tpu.memref_slice %arg2[%dma_start3A_23, %dma_start3A_24] : memref<10240x128xf32, #tpu.memory_space<hbm>> -> memref<10240x128xf32, #tpu.memory_space<hbm>>
    tpu.enqueue_indirect_dma source(%dma_start3A_25 : memref<10240x128xf32, #tpu.memory_space<hbm>>) target(%arg9 : memref<128x128xf32, #tpu.memory_space<vmem>>) offsets(%dma_start3A_22 : memref<128xi32, #tpu.memory_space<vmem>>) semaphore(%arg11 : memref<!tpu.dma_semaphore, #tpu.memory_space<semaphore_mem>>)
    %scan3A_26 = arith.constant 0 : i32
    %scan3A_27 = arith.constant 0 : i32
    %scan3A_28 = arith.constant 20 : i32
    %scan3A_29 = arith.addi %scan3A_27, %scan3A_28 : i32
    %scan3A_30 = arith.constant 1 : i32
    scf.for %scan3A_37 = %scan3A_27 to %scan3A_29 step %scan3A_30  : i32 {
      %mul3A_38 = arith.constant 2 : i32
      %mul3A_39 = arith.muli %scan3A_37, %mul3A_38 : i32
      %add3A_40 = arith.constant 0 : i32
      %add3A_41 = arith.addi %mul3A_39, %add3A_40 : i32
      %add3A_42 = arith.constant 1 : i32
      %add3A_43 = arith.addi %add3A_41, %add3A_42 : i32
      %lt3A = arith.constant 40 : i32
      %lt3A_44 = arith.cmpi slt, %add3A_43, %lt3A : i32
      %convert_element_type3A = arith.extui %lt3A_44 : i1 to i32
      %cond3A = arith.constant 0 : i32
      %cond3A_45 = arith.cmpi ne, %convert_element_type3A, %cond3A : i32
      scf.if %cond3A_45 {
        %dma_start3A_68 = arith.constant 0 : i32
        %dma_start3A_69 = tpu.memref_slice %arg7[%add3A_43, %dma_start3A_68] : memref<40x128xi32, #tpu.memory_space<vmem>> -> memref<1x128xi32, #tpu.memory_space<vmem>>
        %dma_start3A_70 = tpu.memref_squeeze %dma_start3A_69 : memref<1x128xi32, #tpu.memory_space<vmem>> -> memref<128xi32, #tpu.memory_space<vmem>>
        %dma_start3A_71 = arith.constant 0 : i32
        %dma_start3A_72 = arith.constant 0 : i32
        %dma_start3A_73 = tpu.memref_slice %arg2[%dma_start3A_71, %dma_start3A_72] : memref<10240x128xf32, #tpu.memory_space<hbm>> -> memref<10240x128xf32, #tpu.memory_space<hbm>>
        tpu.enqueue_indirect_dma source(%dma_start3A_73 : memref<10240x128xf32, #tpu.memory_space<hbm>>) target(%arg10 : memref<128x128xf32, #tpu.memory_space<vmem>>) offsets(%dma_start3A_70 : memref<128xi32, #tpu.memory_space<vmem>>) semaphore(%arg12 : memref<!tpu.dma_semaphore, #tpu.memory_space<semaphore_mem>>)
      } else {
      }
      %dma_wait3A = arith.constant 0 : i32
      %dma_wait3A_46 = tpu.memref_slice %arg7[%add3A_41, %dma_wait3A] : memref<40x128xi32, #tpu.memory_space<vmem>> -> memref<1x128xi32, #tpu.memory_space<vmem>>
      %dma_wait3A_47 = tpu.memref_squeeze %dma_wait3A_46 : memref<1x128xi32, #tpu.memory_space<vmem>> -> memref<128xi32, #tpu.memory_space<vmem>>
      %dma_wait3A_48 = arith.constant 0 : i32
      %dma_wait3A_49 = arith.constant 0 : i32
      %dma_wait3A_50 = tpu.memref_slice %arg2[%dma_wait3A_48, %dma_wait3A_49] : memref<10240x128xf32, #tpu.memory_space<hbm>> -> memref<10240x128xf32, #tpu.memory_space<hbm>>
      tpu.wait_indirect_dma semaphore(%arg11 : memref<!tpu.dma_semaphore, #tpu.memory_space<semaphore_mem>>) src(%dma_wait3A_50 : memref<10240x128xf32, #tpu.memory_space<hbm>>) dst(%arg9 : memref<128x128xf32, #tpu.memory_space<vmem>>)
      "tpu.region"() ({
        %run_scoped3A_68 = tpu.sem_alloc : memref<!tpu.dma_semaphore, #tpu.memory_space<semaphore_mem>>
        %dma_start3A_69 = arith.constant 0 : i32
        %dma_start3A_70 = tpu.memref_slice %arg8[%add3A_41, %dma_start3A_69] : memref<40x128xi32, #tpu.memory_space<vmem>> -> memref<1x128xi32, #tpu.memory_space<vmem>>
        %dma_start3A_71 = tpu.memref_squeeze %dma_start3A_70 : memref<1x128xi32, #tpu.memory_space<vmem>> -> memref<128xi32, #tpu.memory_space<vmem>>
        %dma_start3A_72 = arith.constant 0 : i32
        %dma_start3A_73 = arith.constant 0 : i32
        %dma_start3A_74 = tpu.memref_slice %arg13[%dma_start3A_72, %dma_start3A_73] : memref<10240x128xf32, #tpu.memory_space<vmem_shared>> -> memref<10240x128xf32, #tpu.memory_space<vmem_shared>>
        tpu.enqueue_indirect_dma source(%arg9 : memref<128x128xf32, #tpu.memory_space<vmem>>) target(%dma_start3A_74 : memref<10240x128xf32, #tpu.memory_space<vmem_shared>>) offsets(%dma_start3A_71 : memref<128xi32, #tpu.memory_space<vmem>>) semaphore(%run_scoped3A_68 : memref<!tpu.dma_semaphore, #tpu.memory_space<semaphore_mem>>) {add = true}
        %dma_wait3A_75 = arith.constant 0 : i32
        %dma_wait3A_76 = tpu.memref_slice %arg8[%add3A_41, %dma_wait3A_75] : memref<40x128xi32, #tpu.memory_space<vmem>> -> memref<1x128xi32, #tpu.memory_space<vmem>>
        %dma_wait3A_77 = tpu.memref_squeeze %dma_wait3A_76 : memref<1x128xi32, #tpu.memory_space<vmem>> -> memref<128xi32, #tpu.memory_space<vmem>>
        %dma_wait3A_78 = arith.constant 0 : i32
        %dma_wait3A_79 = arith.constant 0 : i32
        %dma_wait3A_80 = tpu.memref_slice %arg13[%dma_wait3A_78, %dma_wait3A_79] : memref<10240x128xf32, #tpu.memory_space<vmem_shared>> -> memref<10240x128xf32, #tpu.memory_space<vmem_shared>>
        tpu.wait_indirect_dma semaphore(%run_scoped3A_68 : memref<!tpu.dma_semaphore, #tpu.memory_space<semaphore_mem>>) src(%arg9 : memref<128x128xf32, #tpu.memory_space<vmem>>) dst(%dma_wait3A_80 : memref<10240x128xf32, #tpu.memory_space<vmem_shared>>)
        tpu.yield
      }) : () -> ()
      %mul3A_51 = arith.constant 2 : i32
      %mul3A_52 = arith.muli %scan3A_37, %mul3A_51 : i32
      %add3A_53 = arith.constant 1 : i32
      %add3A_54 = arith.addi %mul3A_52, %add3A_53 : i32
      %add3A_55 = arith.constant 1 : i32
      %add3A_56 = arith.addi %add3A_54, %add3A_55 : i32
      %lt3A_57 = arith.constant 40 : i32
      %lt3A_58 = arith.cmpi slt, %add3A_56, %lt3A_57 : i32
      %convert_element_type3A_59 = arith.extui %lt3A_58 : i1 to i32
      %cond3A_60 = arith.constant 0 : i32
      %cond3A_61 = arith.cmpi ne, %convert_element_type3A_59, %cond3A_60 : i32
      scf.if %cond3A_61 {
        %dma_start3A_68 = arith.constant 0 : i32
        %dma_start3A_69 = tpu.memref_slice %arg7[%add3A_56, %dma_start3A_68] : memref<40x128xi32, #tpu.memory_space<vmem>> -> memref<1x128xi32, #tpu.memory_space<vmem>>
        %dma_start3A_70 = tpu.memref_squeeze %dma_start3A_69 : memref<1x128xi32, #tpu.memory_space<vmem>> -> memref<128xi32, #tpu.memory_space<vmem>>
        %dma_start3A_71 = arith.constant 0 : i32
        %dma_start3A_72 = arith.constant 0 : i32
        %dma_start3A_73 = tpu.memref_slice %arg2[%dma_start3A_71, %dma_start3A_72] : memref<10240x128xf32, #tpu.memory_space<hbm>> -> memref<10240x128xf32, #tpu.memory_space<hbm>>
        tpu.enqueue_indirect_dma source(%dma_start3A_73 : memref<10240x128xf32, #tpu.memory_space<hbm>>) target(%arg9 : memref<128x128xf32, #tpu.memory_space<vmem>>) offsets(%dma_start3A_70 : memref<128xi32, #tpu.memory_space<vmem>>) semaphore(%arg11 : memref<!tpu.dma_semaphore, #tpu.memory_space<semaphore_mem>>)
      } else {
      }
      %dma_wait3A_62 = arith.constant 0 : i32
      %dma_wait3A_63 = tpu.memref_slice %arg7[%add3A_54, %dma_wait3A_62] : memref<40x128xi32, #tpu.memory_space<vmem>> -> memref<1x128xi32, #tpu.memory_space<vmem>>
      %dma_wait3A_64 = tpu.memref_squeeze %dma_wait3A_63 : memref<1x128xi32, #tpu.memory_space<vmem>> -> memref<128xi32, #tpu.memory_space<vmem>>
      %dma_wait3A_65 = arith.constant 0 : i32
      %dma_wait3A_66 = arith.constant 0 : i32
      %dma_wait3A_67 = tpu.memref_slice %arg2[%dma_wait3A_65, %dma_wait3A_66] : memref<10240x128xf32, #tpu.memory_space<hbm>> -> memref<10240x128xf32, #tpu.memory_space<hbm>>
      tpu.wait_indirect_dma semaphore(%arg12 : memref<!tpu.dma_semaphore, #tpu.memory_space<semaphore_mem>>) src(%dma_wait3A_67 : memref<10240x128xf32, #tpu.memory_space<hbm>>) dst(%arg10 : memref<128x128xf32, #tpu.memory_space<vmem>>)
      "tpu.region"() ({
        %run_scoped3A_68 = tpu.sem_alloc : memref<!tpu.dma_semaphore, #tpu.memory_space<semaphore_mem>>
        %dma_start3A_69 = arith.constant 0 : i32
        %dma_start3A_70 = tpu.memref_slice %arg8[%add3A_54, %dma_start3A_69] : memref<40x128xi32, #tpu.memory_space<vmem>> -> memref<1x128xi32, #tpu.memory_space<vmem>>
        %dma_start3A_71 = tpu.memref_squeeze %dma_start3A_70 : memref<1x128xi32, #tpu.memory_space<vmem>> -> memref<128xi32, #tpu.memory_space<vmem>>
        %dma_start3A_72 = arith.constant 0 : i32
        %dma_start3A_73 = arith.constant 0 : i32
        %dma_start3A_74 = tpu.memref_slice %arg13[%dma_start3A_72, %dma_start3A_73] : memref<10240x128xf32, #tpu.memory_space<vmem_shared>> -> memref<10240x128xf32, #tpu.memory_space<vmem_shared>>
        tpu.enqueue_indirect_dma source(%arg10 : memref<128x128xf32, #tpu.memory_space<vmem>>) target(%dma_start3A_74 : memref<10240x128xf32, #tpu.memory_space<vmem_shared>>) offsets(%dma_start3A_71 : memref<128xi32, #tpu.memory_space<vmem>>) semaphore(%run_scoped3A_68 : memref<!tpu.dma_semaphore, #tpu.memory_space<semaphore_mem>>) {add = true}
        %dma_wait3A_75 = arith.constant 0 : i32
        %dma_wait3A_76 = tpu.memref_slice %arg8[%add3A_54, %dma_wait3A_75] : memref<40x128xi32, #tpu.memory_space<vmem>> -> memref<1x128xi32, #tpu.memory_space<vmem>>
        %dma_wait3A_77 = tpu.memref_squeeze %dma_wait3A_76 : memref<1x128xi32, #tpu.memory_space<vmem>> -> memref<128xi32, #tpu.memory_space<vmem>>
        %dma_wait3A_78 = arith.constant 0 : i32
        %dma_wait3A_79 = arith.constant 0 : i32
        %dma_wait3A_80 = tpu.memref_slice %arg13[%dma_wait3A_78, %dma_wait3A_79] : memref<10240x128xf32, #tpu.memory_space<vmem_shared>> -> memref<10240x128xf32, #tpu.memory_space<vmem_shared>>
        tpu.wait_indirect_dma semaphore(%run_scoped3A_68 : memref<!tpu.dma_semaphore, #tpu.memory_space<semaphore_mem>>) src(%arg10 : memref<128x128xf32, #tpu.memory_space<vmem>>) dst(%dma_wait3A_80 : memref<10240x128xf32, #tpu.memory_space<vmem_shared>>)
        tpu.yield
      }) : () -> ()
    }
    %scan3A_31 = arith.constant 20 : i32
    %barrier3A_32 = arith.constant 0 : index
    tpu.barrier barrier_id(%barrier3A_32)
    %mul3A_33 = arith.constant 640 : i32
    %mul3A_34 = arith.muli %arg1, %mul3A_33 : i32
    %mul3A_35 = arith.constant 640 : i32
    %mul3A_36 = arith.muli %arg1, %mul3A_35 : i32
    "tpu.region"() ({
      %run_scoped3A_37 = tpu.sem_alloc : memref<!tpu.dma_semaphore, #tpu.memory_space<semaphore_mem>>
      %dma_start3A_38 = arith.constant 0 : i32
      %dma_start3A_39 = tpu.memref_slice %arg6[%arg0, %mul3A_36, %dma_start3A_38] : memref<2x10240x128xf32, #tpu.memory_space<hbm>> -> memref<1x640x128xf32, #tpu.memory_space<hbm>>
      %dma_start3A_40 = tpu.memref_squeeze %dma_start3A_39 : memref<1x640x128xf32, #tpu.memory_space<hbm>> -> memref<640x128xf32, #tpu.memory_space<hbm>>
      %dma_start3A_41 = arith.constant 0 : i32
      %dma_start3A_42 = tpu.memref_slice %arg13[%mul3A_34, %dma_start3A_41] : memref<10240x128xf32, #tpu.memory_space<vmem_shared>> -> memref<640x128xf32, #tpu.memory_space<vmem_shared>>
      tpu.enqueue_dma source(%dma_start3A_42 : memref<640x128xf32, #tpu.memory_space<vmem_shared>>) target(%dma_start3A_40 : memref<640x128xf32, #tpu.memory_space<hbm>>) target_semaphore(%run_scoped3A_37 : memref<!tpu.dma_semaphore, #tpu.memory_space<semaphore_mem>>)
      %dma_wait3A = arith.constant 0 : i32
      %dma_wait3A_43 = tpu.memref_slice %arg6[%arg0, %mul3A_36, %dma_wait3A] : memref<2x10240x128xf32, #tpu.memory_space<hbm>> -> memref<1x640x128xf32, #tpu.memory_space<hbm>>
      %dma_wait3A_44 = tpu.memref_squeeze %dma_wait3A_43 : memref<1x640x128xf32, #tpu.memory_space<hbm>> -> memref<640x128xf32, #tpu.memory_space<hbm>>
      %dma_wait3A_45 = arith.constant 0 : i32
      %dma_wait3A_46 = tpu.memref_slice %arg13[%mul3A_34, %dma_wait3A_45] : memref<10240x128xf32, #tpu.memory_space<vmem_shared>> -> memref<640x128xf32, #tpu.memory_space<vmem_shared>>
      tpu.wait_dma2 semaphore(%run_scoped3A_37 : memref<!tpu.dma_semaphore, #tpu.memory_space<semaphore_mem>>) src(%dma_wait3A_46 : memref<640x128xf32, #tpu.memory_space<vmem_shared>>) dst(%dma_wait3A_44 : memref<640x128xf32, #tpu.memory_space<hbm>>)
      tpu.yield
    }) : () -> ()
    return
  }
}

#map = affine_map<(d0, d1) -> (0, 0)>
#map1 = affine_map<(d0, d1) -> (0, 0, 0, 0)>
#map2 = affine_map<(d0, d1) -> (0, 0, 0)>
module attributes {stable_mosaic.version = 14 : i64} {
  func.func @_edge_scatter(%arg0: i32, %arg1: i32, %arg2: memref<10240x128xf32, #tpu.memory_space<hbm>>, %arg3: memref<32x2x40x128xi32, #tpu.memory_space<hbm>>, %arg4: memref<32x2x40x128xi32, #tpu.memory_space<hbm>>, %arg5: memref<10240x128xf32, #tpu.memory_space<hbm>>, %arg6: memref<2x10240x128xf32, #tpu.memory_space<hbm>>, %arg7: memref<40x128xi32, #tpu.memory_space<vmem>>, %arg8: memref<40x128xi32, #tpu.memory_space<vmem>>, %arg9: memref<128x128xf32, #tpu.memory_space<vmem>>, %arg10: memref<128x128xf32, #tpu.memory_space<vmem>>, %arg11: memref<!tpu.dma_semaphore, #tpu.memory_space<semaphore_mem>>, %arg12: memref<!tpu.dma_semaphore, #tpu.memory_space<semaphore_mem>>, %arg13: memref<10240x128xf32, #tpu.memory_space<vmem_shared>>) attributes {dimension_semantics = [#tpu.dimension_semantics<core_parallel>, #tpu.dimension_semantics<subcore_parallel>], iteration_bounds = array<i64: 2, 16>, scalar_prefetch = 0 : i64, scratch_operands = 7 : i64, tpu.core_type = #tpu.core_type<sc_vector_subcore>, window_params = [{transform_indices = #map}, {transform_indices = #map1}, {transform_indices = #map1}, {transform_indices = #map}, {transform_indices = #map2}]} {
    %mul3A = arith.constant 16 : i32
    %mul3A_0 = arith.muli %arg0, %mul3A : i32
    %add3A = arith.addi %mul3A_0, %arg1 : i32
    %mul3A_1 = arith.constant 640 : i32
    %mul3A_2 = arith.muli %arg1, %mul3A_1 : i32
    %mul3A_3 = arith.constant 640 : i32
    %mul3A_4 = arith.muli %arg1, %mul3A_3 : i32
    "tpu.region"() ({
      %run_scoped3A_37 = tpu.sem_alloc : memref<!tpu.dma_semaphore, #tpu.memory_space<semaphore_mem>>
      %dma_start3A_38 = arith.constant 0 : i32
      %dma_start3A_39 = tpu.memref_slice %arg13[%mul3A_4, %dma_start3A_38] : memref<10240x128xf32, #tpu.memory_space<vmem_shared>> -> memref<640x128xf32, #tpu.memory_space<vmem_shared>>
      %dma_start3A_40 = arith.constant 0 : i32
      %dma_start3A_41 = tpu.memref_slice %arg5[%mul3A_2, %dma_start3A_40] : memref<10240x128xf32, #tpu.memory_space<hbm>> -> memref<640x128xf32, #tpu.memory_space<hbm>>
      tpu.enqueue_dma source(%dma_start3A_41 : memref<640x128xf32, #tpu.memory_space<hbm>>) target(%dma_start3A_39 : memref<640x128xf32, #tpu.memory_space<vmem_shared>>) target_semaphore(%run_scoped3A_37 : memref<!tpu.dma_semaphore, #tpu.memory_space<semaphore_mem>>)
      %dma_wait3A = arith.constant 0 : i32
      %dma_wait3A_42 = tpu.memref_slice %arg13[%mul3A_4, %dma_wait3A] : memref<10240x128xf32, #tpu.memory_space<vmem_shared>> -> memref<640x128xf32, #tpu.memory_space<vmem_shared>>
      %dma_wait3A_43 = arith.constant 0 : i32
      %dma_wait3A_44 = tpu.memref_slice %arg5[%mul3A_2, %dma_wait3A_43] : memref<10240x128xf32, #tpu.memory_space<hbm>> -> memref<640x128xf32, #tpu.memory_space<hbm>>
      tpu.wait_dma2 semaphore(%run_scoped3A_37 : memref<!tpu.dma_semaphore, #tpu.memory_space<semaphore_mem>>) src(%dma_wait3A_44 : memref<640x128xf32, #tpu.memory_space<hbm>>) dst(%dma_wait3A_42 : memref<640x128xf32, #tpu.memory_space<vmem_shared>>)
      tpu.yield
    }) : () -> ()
    %barrier3A = arith.constant 0 : index
    tpu.barrier barrier_id(%barrier3A)
    %run_scoped3A = arith.constant 0 : i32
    "tpu.region"() ({
      %run_scoped3A_37 = tpu.sem_alloc : memref<!tpu.dma_semaphore, #tpu.memory_space<semaphore_mem>>
      %dma_start3A_38 = arith.constant 0 : i32
      %dma_start3A_39 = arith.constant 0 : i32
      %dma_start3A_40 = arith.constant 0 : i32
      %dma_start3A_41 = tpu.memref_slice %arg3[%add3A, %dma_start3A_38, %dma_start3A_39, %dma_start3A_40] : memref<32x2x40x128xi32, #tpu.memory_space<hbm>> -> memref<1x2x40x128xi32, #tpu.memory_space<hbm>>
      %dma_start3A_42 = tpu.memref_squeeze %dma_start3A_41 : memref<1x2x40x128xi32, #tpu.memory_space<hbm>> -> memref<2x40x128xi32, #tpu.memory_space<hbm>>
      %dma_start3A_43 = arith.constant 0 : i32
      %dma_start3A_44 = arith.constant 0 : i32
      %dma_start3A_45 = tpu.memref_slice %dma_start3A_42[%run_scoped3A, %dma_start3A_43, %dma_start3A_44] : memref<2x40x128xi32, #tpu.memory_space<hbm>> -> memref<1x40x128xi32, #tpu.memory_space<hbm>>
      %dma_start3A_46 = tpu.memref_squeeze %dma_start3A_45 : memref<1x40x128xi32, #tpu.memory_space<hbm>> -> memref<40x128xi32, #tpu.memory_space<hbm>>
      %dma_start3A_47 = arith.constant 0 : i32
      %dma_start3A_48 = arith.constant 0 : i32
      %dma_start3A_49 = arith.constant 0 : i32
      %dma_start3A_50 = tpu.memref_slice %arg3[%add3A, %dma_start3A_47, %dma_start3A_48, %dma_start3A_49] : memref<32x2x40x128xi32, #tpu.memory_space<hbm>> -> memref<1x2x40x128xi32, #tpu.memory_space<hbm>>
      %dma_start3A_51 = tpu.memref_squeeze %dma_start3A_50 : memref<1x2x40x128xi32, #tpu.memory_space<hbm>> -> memref<2x40x128xi32, #tpu.memory_space<hbm>>
      %dma_start3A_52 = arith.constant 0 : i32
      %dma_start3A_53 = arith.constant 0 : i32
      %dma_start3A_54 = tpu.memref_slice %dma_start3A_51[%run_scoped3A, %dma_start3A_52, %dma_start3A_53] : memref<2x40x128xi32, #tpu.memory_space<hbm>> -> memref<1x40x128xi32, #tpu.memory_space<hbm>>
      %dma_start3A_55 = tpu.memref_squeeze %dma_start3A_54 : memref<1x40x128xi32, #tpu.memory_space<hbm>> -> memref<40x128xi32, #tpu.memory_space<hbm>>
      tpu.enqueue_dma source(%dma_start3A_55 : memref<40x128xi32, #tpu.memory_space<hbm>>) target(%arg7 : memref<40x128xi32, #tpu.memory_space<vmem>>) target_semaphore(%run_scoped3A_37 : memref<!tpu.dma_semaphore, #tpu.memory_space<semaphore_mem>>)
      %dma_wait3A = arith.constant 0 : i32
      %dma_wait3A_56 = arith.constant 0 : i32
      %dma_wait3A_57 = arith.constant 0 : i32
      %dma_wait3A_58 = tpu.memref_slice %arg3[%add3A, %dma_wait3A, %dma_wait3A_56, %dma_wait3A_57] : memref<32x2x40x128xi32, #tpu.memory_space<hbm>> -> memref<1x2x40x128xi32, #tpu.memory_space<hbm>>
      %dma_wait3A_59 = tpu.memref_squeeze %dma_wait3A_58 : memref<1x2x40x128xi32, #tpu.memory_space<hbm>> -> memref<2x40x128xi32, #tpu.memory_space<hbm>>
      %dma_wait3A_60 = arith.constant 0 : i32
      %dma_wait3A_61 = arith.constant 0 : i32
      %dma_wait3A_62 = tpu.memref_slice %dma_wait3A_59[%run_scoped3A, %dma_wait3A_60, %dma_wait3A_61] : memref<2x40x128xi32, #tpu.memory_space<hbm>> -> memref<1x40x128xi32, #tpu.memory_space<hbm>>
      %dma_wait3A_63 = tpu.memref_squeeze %dma_wait3A_62 : memref<1x40x128xi32, #tpu.memory_space<hbm>> -> memref<40x128xi32, #tpu.memory_space<hbm>>
      %dma_wait3A_64 = arith.constant 0 : i32
      %dma_wait3A_65 = arith.constant 0 : i32
      %dma_wait3A_66 = arith.constant 0 : i32
      %dma_wait3A_67 = tpu.memref_slice %arg3[%add3A, %dma_wait3A_64, %dma_wait3A_65, %dma_wait3A_66] : memref<32x2x40x128xi32, #tpu.memory_space<hbm>> -> memref<1x2x40x128xi32, #tpu.memory_space<hbm>>
      %dma_wait3A_68 = tpu.memref_squeeze %dma_wait3A_67 : memref<1x2x40x128xi32, #tpu.memory_space<hbm>> -> memref<2x40x128xi32, #tpu.memory_space<hbm>>
      %dma_wait3A_69 = arith.constant 0 : i32
      %dma_wait3A_70 = arith.constant 0 : i32
      %dma_wait3A_71 = tpu.memref_slice %dma_wait3A_68[%run_scoped3A, %dma_wait3A_69, %dma_wait3A_70] : memref<2x40x128xi32, #tpu.memory_space<hbm>> -> memref<1x40x128xi32, #tpu.memory_space<hbm>>
      %dma_wait3A_72 = tpu.memref_squeeze %dma_wait3A_71 : memref<1x40x128xi32, #tpu.memory_space<hbm>> -> memref<40x128xi32, #tpu.memory_space<hbm>>
      tpu.wait_dma2 semaphore(%run_scoped3A_37 : memref<!tpu.dma_semaphore, #tpu.memory_space<semaphore_mem>>) src(%dma_wait3A_72 : memref<40x128xi32, #tpu.memory_space<hbm>>) dst(%arg7 : memref<40x128xi32, #tpu.memory_space<vmem>>)
      tpu.yield
    }) : () -> ()
    %run_scoped3A_5 = arith.constant 0 : i32
    "tpu.region"() ({
      %run_scoped3A_37 = tpu.sem_alloc : memref<!tpu.dma_semaphore, #tpu.memory_space<semaphore_mem>>
      %dma_start3A_38 = arith.constant 0 : i32
      %dma_start3A_39 = arith.constant 0 : i32
      %dma_start3A_40 = arith.constant 0 : i32
      %dma_start3A_41 = tpu.memref_slice %arg4[%add3A, %dma_start3A_38, %dma_start3A_39, %dma_start3A_40] : memref<32x2x40x128xi32, #tpu.memory_space<hbm>> -> memref<1x2x40x128xi32, #tpu.memory_space<hbm>>
      %dma_start3A_42 = tpu.memref_squeeze %dma_start3A_41 : memref<1x2x40x128xi32, #tpu.memory_space<hbm>> -> memref<2x40x128xi32, #tpu.memory_space<hbm>>
      %dma_start3A_43 = arith.constant 0 : i32
      %dma_start3A_44 = arith.constant 0 : i32
      %dma_start3A_45 = tpu.memref_slice %dma_start3A_42[%run_scoped3A_5, %dma_start3A_43, %dma_start3A_44] : memref<2x40x128xi32, #tpu.memory_space<hbm>> -> memref<1x40x128xi32, #tpu.memory_space<hbm>>
      %dma_start3A_46 = tpu.memref_squeeze %dma_start3A_45 : memref<1x40x128xi32, #tpu.memory_space<hbm>> -> memref<40x128xi32, #tpu.memory_space<hbm>>
      %dma_start3A_47 = arith.constant 0 : i32
      %dma_start3A_48 = arith.constant 0 : i32
      %dma_start3A_49 = arith.constant 0 : i32
      %dma_start3A_50 = tpu.memref_slice %arg4[%add3A, %dma_start3A_47, %dma_start3A_48, %dma_start3A_49] : memref<32x2x40x128xi32, #tpu.memory_space<hbm>> -> memref<1x2x40x128xi32, #tpu.memory_space<hbm>>
      %dma_start3A_51 = tpu.memref_squeeze %dma_start3A_50 : memref<1x2x40x128xi32, #tpu.memory_space<hbm>> -> memref<2x40x128xi32, #tpu.memory_space<hbm>>
      %dma_start3A_52 = arith.constant 0 : i32
      %dma_start3A_53 = arith.constant 0 : i32
      %dma_start3A_54 = tpu.memref_slice %dma_start3A_51[%run_scoped3A_5, %dma_start3A_52, %dma_start3A_53] : memref<2x40x128xi32, #tpu.memory_space<hbm>> -> memref<1x40x128xi32, #tpu.memory_space<hbm>>
      %dma_start3A_55 = tpu.memref_squeeze %dma_start3A_54 : memref<1x40x128xi32, #tpu.memory_space<hbm>> -> memref<40x128xi32, #tpu.memory_space<hbm>>
      tpu.enqueue_dma source(%dma_start3A_55 : memref<40x128xi32, #tpu.memory_space<hbm>>) target(%arg8 : memref<40x128xi32, #tpu.memory_space<vmem>>) target_semaphore(%run_scoped3A_37 : memref<!tpu.dma_semaphore, #tpu.memory_space<semaphore_mem>>)
      %dma_wait3A = arith.constant 0 : i32
      %dma_wait3A_56 = arith.constant 0 : i32
      %dma_wait3A_57 = arith.constant 0 : i32
      %dma_wait3A_58 = tpu.memref_slice %arg4[%add3A, %dma_wait3A, %dma_wait3A_56, %dma_wait3A_57] : memref<32x2x40x128xi32, #tpu.memory_space<hbm>> -> memref<1x2x40x128xi32, #tpu.memory_space<hbm>>
      %dma_wait3A_59 = tpu.memref_squeeze %dma_wait3A_58 : memref<1x2x40x128xi32, #tpu.memory_space<hbm>> -> memref<2x40x128xi32, #tpu.memory_space<hbm>>
      %dma_wait3A_60 = arith.constant 0 : i32
      %dma_wait3A_61 = arith.constant 0 : i32
      %dma_wait3A_62 = tpu.memref_slice %dma_wait3A_59[%run_scoped3A_5, %dma_wait3A_60, %dma_wait3A_61] : memref<2x40x128xi32, #tpu.memory_space<hbm>> -> memref<1x40x128xi32, #tpu.memory_space<hbm>>
      %dma_wait3A_63 = tpu.memref_squeeze %dma_wait3A_62 : memref<1x40x128xi32, #tpu.memory_space<hbm>> -> memref<40x128xi32, #tpu.memory_space<hbm>>
      %dma_wait3A_64 = arith.constant 0 : i32
      %dma_wait3A_65 = arith.constant 0 : i32
      %dma_wait3A_66 = arith.constant 0 : i32
      %dma_wait3A_67 = tpu.memref_slice %arg4[%add3A, %dma_wait3A_64, %dma_wait3A_65, %dma_wait3A_66] : memref<32x2x40x128xi32, #tpu.memory_space<hbm>> -> memref<1x2x40x128xi32, #tpu.memory_space<hbm>>
      %dma_wait3A_68 = tpu.memref_squeeze %dma_wait3A_67 : memref<1x2x40x128xi32, #tpu.memory_space<hbm>> -> memref<2x40x128xi32, #tpu.memory_space<hbm>>
      %dma_wait3A_69 = arith.constant 0 : i32
      %dma_wait3A_70 = arith.constant 0 : i32
      %dma_wait3A_71 = tpu.memref_slice %dma_wait3A_68[%run_scoped3A_5, %dma_wait3A_69, %dma_wait3A_70] : memref<2x40x128xi32, #tpu.memory_space<hbm>> -> memref<1x40x128xi32, #tpu.memory_space<hbm>>
      %dma_wait3A_72 = tpu.memref_squeeze %dma_wait3A_71 : memref<1x40x128xi32, #tpu.memory_space<hbm>> -> memref<40x128xi32, #tpu.memory_space<hbm>>
      tpu.wait_dma2 semaphore(%run_scoped3A_37 : memref<!tpu.dma_semaphore, #tpu.memory_space<semaphore_mem>>) src(%dma_wait3A_72 : memref<40x128xi32, #tpu.memory_space<hbm>>) dst(%arg8 : memref<40x128xi32, #tpu.memory_space<vmem>>)
      tpu.yield
    }) : () -> ()
    %dma_start3A = arith.constant 0 : i32
    %dma_start3A_6 = arith.constant 0 : i32
    %dma_start3A_7 = tpu.memref_slice %arg7[%dma_start3A, %dma_start3A_6] : memref<40x128xi32, #tpu.memory_space<vmem>> -> memref<1x128xi32, #tpu.memory_space<vmem>>
    %dma_start3A_8 = tpu.memref_squeeze %dma_start3A_7 : memref<1x128xi32, #tpu.memory_space<vmem>> -> memref<128xi32, #tpu.memory_space<vmem>>
    %dma_start3A_9 = arith.constant 0 : i32
    %dma_start3A_10 = arith.constant 0 : i32
    %dma_start3A_11 = tpu.memref_slice %arg2[%dma_start3A_9, %dma_start3A_10] : memref<10240x128xf32, #tpu.memory_space<hbm>> -> memref<10240x128xf32, #tpu.memory_space<hbm>>
    tpu.enqueue_indirect_dma source(%dma_start3A_11 : memref<10240x128xf32, #tpu.memory_space<hbm>>) target(%arg9 : memref<128x128xf32, #tpu.memory_space<vmem>>) offsets(%dma_start3A_8 : memref<128xi32, #tpu.memory_space<vmem>>) semaphore(%arg11 : memref<!tpu.dma_semaphore, #tpu.memory_space<semaphore_mem>>)
    %scan3A = arith.constant 0 : i32
    %scan3A_12 = arith.constant 0 : i32
    %scan3A_13 = arith.constant 20 : i32
    %scan3A_14 = arith.addi %scan3A_12, %scan3A_13 : i32
    %scan3A_15 = arith.constant 1 : i32
    scf.for %scan3A_37 = %scan3A_12 to %scan3A_14 step %scan3A_15  : i32 {
      %mul3A_38 = arith.constant 2 : i32
      %mul3A_39 = arith.muli %scan3A_37, %mul3A_38 : i32
      %add3A_40 = arith.constant 0 : i32
      %add3A_41 = arith.addi %mul3A_39, %add3A_40 : i32
      %add3A_42 = arith.constant 1 : i32
      %add3A_43 = arith.addi %add3A_41, %add3A_42 : i32
      %lt3A = arith.constant 40 : i32
      %lt3A_44 = arith.cmpi slt, %add3A_43, %lt3A : i32
      %convert_element_type3A = arith.extui %lt3A_44 : i1 to i32
      %cond3A = arith.constant 0 : i32
      %cond3A_45 = arith.cmpi ne, %convert_element_type3A, %cond3A : i32
      scf.if %cond3A_45 {
        %dma_start3A_68 = arith.constant 0 : i32
        %dma_start3A_69 = tpu.memref_slice %arg7[%add3A_43, %dma_start3A_68] : memref<40x128xi32, #tpu.memory_space<vmem>> -> memref<1x128xi32, #tpu.memory_space<vmem>>
        %dma_start3A_70 = tpu.memref_squeeze %dma_start3A_69 : memref<1x128xi32, #tpu.memory_space<vmem>> -> memref<128xi32, #tpu.memory_space<vmem>>
        %dma_start3A_71 = arith.constant 0 : i32
        %dma_start3A_72 = arith.constant 0 : i32
        %dma_start3A_73 = tpu.memref_slice %arg2[%dma_start3A_71, %dma_start3A_72] : memref<10240x128xf32, #tpu.memory_space<hbm>> -> memref<10240x128xf32, #tpu.memory_space<hbm>>
        tpu.enqueue_indirect_dma source(%dma_start3A_73 : memref<10240x128xf32, #tpu.memory_space<hbm>>) target(%arg10 : memref<128x128xf32, #tpu.memory_space<vmem>>) offsets(%dma_start3A_70 : memref<128xi32, #tpu.memory_space<vmem>>) semaphore(%arg12 : memref<!tpu.dma_semaphore, #tpu.memory_space<semaphore_mem>>)
      } else {
      }
      %dma_wait3A = arith.constant 0 : i32
      %dma_wait3A_46 = tpu.memref_slice %arg7[%add3A_41, %dma_wait3A] : memref<40x128xi32, #tpu.memory_space<vmem>> -> memref<1x128xi32, #tpu.memory_space<vmem>>
      %dma_wait3A_47 = tpu.memref_squeeze %dma_wait3A_46 : memref<1x128xi32, #tpu.memory_space<vmem>> -> memref<128xi32, #tpu.memory_space<vmem>>
      %dma_wait3A_48 = arith.constant 0 : i32
      %dma_wait3A_49 = arith.constant 0 : i32
      %dma_wait3A_50 = tpu.memref_slice %arg2[%dma_wait3A_48, %dma_wait3A_49] : memref<10240x128xf32, #tpu.memory_space<hbm>> -> memref<10240x128xf32, #tpu.memory_space<hbm>>
      tpu.wait_indirect_dma semaphore(%arg11 : memref<!tpu.dma_semaphore, #tpu.memory_space<semaphore_mem>>) src(%dma_wait3A_50 : memref<10240x128xf32, #tpu.memory_space<hbm>>) dst(%arg9 : memref<128x128xf32, #tpu.memory_space<vmem>>)
      "tpu.region"() ({
        %run_scoped3A_68 = tpu.sem_alloc : memref<!tpu.dma_semaphore, #tpu.memory_space<semaphore_mem>>
        %dma_start3A_69 = arith.constant 0 : i32
        %dma_start3A_70 = tpu.memref_slice %arg8[%add3A_41, %dma_start3A_69] : memref<40x128xi32, #tpu.memory_space<vmem>> -> memref<1x128xi32, #tpu.memory_space<vmem>>
        %dma_start3A_71 = tpu.memref_squeeze %dma_start3A_70 : memref<1x128xi32, #tpu.memory_space<vmem>> -> memref<128xi32, #tpu.memory_space<vmem>>
        %dma_start3A_72 = arith.constant 0 : i32
        %dma_start3A_73 = arith.constant 0 : i32
        %dma_start3A_74 = tpu.memref_slice %arg13[%dma_start3A_72, %dma_start3A_73] : memref<10240x128xf32, #tpu.memory_space<vmem_shared>> -> memref<10240x128xf32, #tpu.memory_space<vmem_shared>>
        tpu.enqueue_indirect_dma source(%arg9 : memref<128x128xf32, #tpu.memory_space<vmem>>) target(%dma_start3A_74 : memref<10240x128xf32, #tpu.memory_space<vmem_shared>>) offsets(%dma_start3A_71 : memref<128xi32, #tpu.memory_space<vmem>>) semaphore(%run_scoped3A_68 : memref<!tpu.dma_semaphore, #tpu.memory_space<semaphore_mem>>) {add = true}
        %dma_wait3A_75 = arith.constant 0 : i32
        %dma_wait3A_76 = tpu.memref_slice %arg8[%add3A_41, %dma_wait3A_75] : memref<40x128xi32, #tpu.memory_space<vmem>> -> memref<1x128xi32, #tpu.memory_space<vmem>>
        %dma_wait3A_77 = tpu.memref_squeeze %dma_wait3A_76 : memref<1x128xi32, #tpu.memory_space<vmem>> -> memref<128xi32, #tpu.memory_space<vmem>>
        %dma_wait3A_78 = arith.constant 0 : i32
        %dma_wait3A_79 = arith.constant 0 : i32
        %dma_wait3A_80 = tpu.memref_slice %arg13[%dma_wait3A_78, %dma_wait3A_79] : memref<10240x128xf32, #tpu.memory_space<vmem_shared>> -> memref<10240x128xf32, #tpu.memory_space<vmem_shared>>
        tpu.wait_indirect_dma semaphore(%run_scoped3A_68 : memref<!tpu.dma_semaphore, #tpu.memory_space<semaphore_mem>>) src(%arg9 : memref<128x128xf32, #tpu.memory_space<vmem>>) dst(%dma_wait3A_80 : memref<10240x128xf32, #tpu.memory_space<vmem_shared>>)
        tpu.yield
      }) : () -> ()
      %mul3A_51 = arith.constant 2 : i32
      %mul3A_52 = arith.muli %scan3A_37, %mul3A_51 : i32
      %add3A_53 = arith.constant 1 : i32
      %add3A_54 = arith.addi %mul3A_52, %add3A_53 : i32
      %add3A_55 = arith.constant 1 : i32
      %add3A_56 = arith.addi %add3A_54, %add3A_55 : i32
      %lt3A_57 = arith.constant 40 : i32
      %lt3A_58 = arith.cmpi slt, %add3A_56, %lt3A_57 : i32
      %convert_element_type3A_59 = arith.extui %lt3A_58 : i1 to i32
      %cond3A_60 = arith.constant 0 : i32
      %cond3A_61 = arith.cmpi ne, %convert_element_type3A_59, %cond3A_60 : i32
      scf.if %cond3A_61 {
        %dma_start3A_68 = arith.constant 0 : i32
        %dma_start3A_69 = tpu.memref_slice %arg7[%add3A_56, %dma_start3A_68] : memref<40x128xi32, #tpu.memory_space<vmem>> -> memref<1x128xi32, #tpu.memory_space<vmem>>
        %dma_start3A_70 = tpu.memref_squeeze %dma_start3A_69 : memref<1x128xi32, #tpu.memory_space<vmem>> -> memref<128xi32, #tpu.memory_space<vmem>>
        %dma_start3A_71 = arith.constant 0 : i32
        %dma_start3A_72 = arith.constant 0 : i32
        %dma_start3A_73 = tpu.memref_slice %arg2[%dma_start3A_71, %dma_start3A_72] : memref<10240x128xf32, #tpu.memory_space<hbm>> -> memref<10240x128xf32, #tpu.memory_space<hbm>>
        tpu.enqueue_indirect_dma source(%dma_start3A_73 : memref<10240x128xf32, #tpu.memory_space<hbm>>) target(%arg9 : memref<128x128xf32, #tpu.memory_space<vmem>>) offsets(%dma_start3A_70 : memref<128xi32, #tpu.memory_space<vmem>>) semaphore(%arg11 : memref<!tpu.dma_semaphore, #tpu.memory_space<semaphore_mem>>)
      } else {
      }
      %dma_wait3A_62 = arith.constant 0 : i32
      %dma_wait3A_63 = tpu.memref_slice %arg7[%add3A_54, %dma_wait3A_62] : memref<40x128xi32, #tpu.memory_space<vmem>> -> memref<1x128xi32, #tpu.memory_space<vmem>>
      %dma_wait3A_64 = tpu.memref_squeeze %dma_wait3A_63 : memref<1x128xi32, #tpu.memory_space<vmem>> -> memref<128xi32, #tpu.memory_space<vmem>>
      %dma_wait3A_65 = arith.constant 0 : i32
      %dma_wait3A_66 = arith.constant 0 : i32
      %dma_wait3A_67 = tpu.memref_slice %arg2[%dma_wait3A_65, %dma_wait3A_66] : memref<10240x128xf32, #tpu.memory_space<hbm>> -> memref<10240x128xf32, #tpu.memory_space<hbm>>
      tpu.wait_indirect_dma semaphore(%arg12 : memref<!tpu.dma_semaphore, #tpu.memory_space<semaphore_mem>>) src(%dma_wait3A_67 : memref<10240x128xf32, #tpu.memory_space<hbm>>) dst(%arg10 : memref<128x128xf32, #tpu.memory_space<vmem>>)
      "tpu.region"() ({
        %run_scoped3A_68 = tpu.sem_alloc : memref<!tpu.dma_semaphore, #tpu.memory_space<semaphore_mem>>
        %dma_start3A_69 = arith.constant 0 : i32
        %dma_start3A_70 = tpu.memref_slice %arg8[%add3A_54, %dma_start3A_69] : memref<40x128xi32, #tpu.memory_space<vmem>> -> memref<1x128xi32, #tpu.memory_space<vmem>>
        %dma_start3A_71 = tpu.memref_squeeze %dma_start3A_70 : memref<1x128xi32, #tpu.memory_space<vmem>> -> memref<128xi32, #tpu.memory_space<vmem>>
        %dma_start3A_72 = arith.constant 0 : i32
        %dma_start3A_73 = arith.constant 0 : i32
        %dma_start3A_74 = tpu.memref_slice %arg13[%dma_start3A_72, %dma_start3A_73] : memref<10240x128xf32, #tpu.memory_space<vmem_shared>> -> memref<10240x128xf32, #tpu.memory_space<vmem_shared>>
        tpu.enqueue_indirect_dma source(%arg10 : memref<128x128xf32, #tpu.memory_space<vmem>>) target(%dma_start3A_74 : memref<10240x128xf32, #tpu.memory_space<vmem_shared>>) offsets(%dma_start3A_71 : memref<128xi32, #tpu.memory_space<vmem>>) semaphore(%run_scoped3A_68 : memref<!tpu.dma_semaphore, #tpu.memory_space<semaphore_mem>>) {add = true}
        %dma_wait3A_75 = arith.constant 0 : i32
        %dma_wait3A_76 = tpu.memref_slice %arg8[%add3A_54, %dma_wait3A_75] : memref<40x128xi32, #tpu.memory_space<vmem>> -> memref<1x128xi32, #tpu.memory_space<vmem>>
        %dma_wait3A_77 = tpu.memref_squeeze %dma_wait3A_76 : memref<1x128xi32, #tpu.memory_space<vmem>> -> memref<128xi32, #tpu.memory_space<vmem>>
        %dma_wait3A_78 = arith.constant 0 : i32
        %dma_wait3A_79 = arith.constant 0 : i32
        %dma_wait3A_80 = tpu.memref_slice %arg13[%dma_wait3A_78, %dma_wait3A_79] : memref<10240x128xf32, #tpu.memory_space<vmem_shared>> -> memref<10240x128xf32, #tpu.memory_space<vmem_shared>>
        tpu.wait_indirect_dma semaphore(%run_scoped3A_68 : memref<!tpu.dma_semaphore, #tpu.memory_space<semaphore_mem>>) src(%arg10 : memref<128x128xf32, #tpu.memory_space<vmem>>) dst(%dma_wait3A_80 : memref<10240x128xf32, #tpu.memory_space<vmem_shared>>)
        tpu.yield
      }) : () -> ()
    }
    %scan3A_16 = arith.constant 20 : i32
    %run_scoped3A_17 = arith.constant 1 : i32
    "tpu.region"() ({
      %run_scoped3A_37 = tpu.sem_alloc : memref<!tpu.dma_semaphore, #tpu.memory_space<semaphore_mem>>
      %dma_start3A_38 = arith.constant 0 : i32
      %dma_start3A_39 = arith.constant 0 : i32
      %dma_start3A_40 = arith.constant 0 : i32
      %dma_start3A_41 = tpu.memref_slice %arg3[%add3A, %dma_start3A_38, %dma_start3A_39, %dma_start3A_40] : memref<32x2x40x128xi32, #tpu.memory_space<hbm>> -> memref<1x2x40x128xi32, #tpu.memory_space<hbm>>
      %dma_start3A_42 = tpu.memref_squeeze %dma_start3A_41 : memref<1x2x40x128xi32, #tpu.memory_space<hbm>> -> memref<2x40x128xi32, #tpu.memory_space<hbm>>
      %dma_start3A_43 = arith.constant 0 : i32
      %dma_start3A_44 = arith.constant 0 : i32
      %dma_start3A_45 = tpu.memref_slice %dma_start3A_42[%run_scoped3A_17, %dma_start3A_43, %dma_start3A_44] : memref<2x40x128xi32, #tpu.memory_space<hbm>> -> memref<1x40x128xi32, #tpu.memory_space<hbm>>
      %dma_start3A_46 = tpu.memref_squeeze %dma_start3A_45 : memref<1x40x128xi32, #tpu.memory_space<hbm>> -> memref<40x128xi32, #tpu.memory_space<hbm>>
      %dma_start3A_47 = arith.constant 0 : i32
      %dma_start3A_48 = arith.constant 0 : i32
      %dma_start3A_49 = arith.constant 0 : i32
      %dma_start3A_50 = tpu.memref_slice %arg3[%add3A, %dma_start3A_47, %dma_start3A_48, %dma_start3A_49] : memref<32x2x40x128xi32, #tpu.memory_space<hbm>> -> memref<1x2x40x128xi32, #tpu.memory_space<hbm>>
      %dma_start3A_51 = tpu.memref_squeeze %dma_start3A_50 : memref<1x2x40x128xi32, #tpu.memory_space<hbm>> -> memref<2x40x128xi32, #tpu.memory_space<hbm>>
      %dma_start3A_52 = arith.constant 0 : i32
      %dma_start3A_53 = arith.constant 0 : i32
      %dma_start3A_54 = tpu.memref_slice %dma_start3A_51[%run_scoped3A_17, %dma_start3A_52, %dma_start3A_53] : memref<2x40x128xi32, #tpu.memory_space<hbm>> -> memref<1x40x128xi32, #tpu.memory_space<hbm>>
      %dma_start3A_55 = tpu.memref_squeeze %dma_start3A_54 : memref<1x40x128xi32, #tpu.memory_space<hbm>> -> memref<40x128xi32, #tpu.memory_space<hbm>>
      tpu.enqueue_dma source(%dma_start3A_55 : memref<40x128xi32, #tpu.memory_space<hbm>>) target(%arg7 : memref<40x128xi32, #tpu.memory_space<vmem>>) target_semaphore(%run_scoped3A_37 : memref<!tpu.dma_semaphore, #tpu.memory_space<semaphore_mem>>)
      %dma_wait3A = arith.constant 0 : i32
      %dma_wait3A_56 = arith.constant 0 : i32
      %dma_wait3A_57 = arith.constant 0 : i32
      %dma_wait3A_58 = tpu.memref_slice %arg3[%add3A, %dma_wait3A, %dma_wait3A_56, %dma_wait3A_57] : memref<32x2x40x128xi32, #tpu.memory_space<hbm>> -> memref<1x2x40x128xi32, #tpu.memory_space<hbm>>
      %dma_wait3A_59 = tpu.memref_squeeze %dma_wait3A_58 : memref<1x2x40x128xi32, #tpu.memory_space<hbm>> -> memref<2x40x128xi32, #tpu.memory_space<hbm>>
      %dma_wait3A_60 = arith.constant 0 : i32
      %dma_wait3A_61 = arith.constant 0 : i32
      %dma_wait3A_62 = tpu.memref_slice %dma_wait3A_59[%run_scoped3A_17, %dma_wait3A_60, %dma_wait3A_61] : memref<2x40x128xi32, #tpu.memory_space<hbm>> -> memref<1x40x128xi32, #tpu.memory_space<hbm>>
      %dma_wait3A_63 = tpu.memref_squeeze %dma_wait3A_62 : memref<1x40x128xi32, #tpu.memory_space<hbm>> -> memref<40x128xi32, #tpu.memory_space<hbm>>
      %dma_wait3A_64 = arith.constant 0 : i32
      %dma_wait3A_65 = arith.constant 0 : i32
      %dma_wait3A_66 = arith.constant 0 : i32
      %dma_wait3A_67 = tpu.memref_slice %arg3[%add3A, %dma_wait3A_64, %dma_wait3A_65, %dma_wait3A_66] : memref<32x2x40x128xi32, #tpu.memory_space<hbm>> -> memref<1x2x40x128xi32, #tpu.memory_space<hbm>>
      %dma_wait3A_68 = tpu.memref_squeeze %dma_wait3A_67 : memref<1x2x40x128xi32, #tpu.memory_space<hbm>> -> memref<2x40x128xi32, #tpu.memory_space<hbm>>
      %dma_wait3A_69 = arith.constant 0 : i32
      %dma_wait3A_70 = arith.constant 0 : i32
      %dma_wait3A_71 = tpu.memref_slice %dma_wait3A_68[%run_scoped3A_17, %dma_wait3A_69, %dma_wait3A_70] : memref<2x40x128xi32, #tpu.memory_space<hbm>> -> memref<1x40x128xi32, #tpu.memory_space<hbm>>
      %dma_wait3A_72 = tpu.memref_squeeze %dma_wait3A_71 : memref<1x40x128xi32, #tpu.memory_space<hbm>> -> memref<40x128xi32, #tpu.memory_space<hbm>>
      tpu.wait_dma2 semaphore(%run_scoped3A_37 : memref<!tpu.dma_semaphore, #tpu.memory_space<semaphore_mem>>) src(%dma_wait3A_72 : memref<40x128xi32, #tpu.memory_space<hbm>>) dst(%arg7 : memref<40x128xi32, #tpu.memory_space<vmem>>)
      tpu.yield
    }) : () -> ()
    %run_scoped3A_18 = arith.constant 1 : i32
    "tpu.region"() ({
      %run_scoped3A_37 = tpu.sem_alloc : memref<!tpu.dma_semaphore, #tpu.memory_space<semaphore_mem>>
      %dma_start3A_38 = arith.constant 0 : i32
      %dma_start3A_39 = arith.constant 0 : i32
      %dma_start3A_40 = arith.constant 0 : i32
      %dma_start3A_41 = tpu.memref_slice %arg4[%add3A, %dma_start3A_38, %dma_start3A_39, %dma_start3A_40] : memref<32x2x40x128xi32, #tpu.memory_space<hbm>> -> memref<1x2x40x128xi32, #tpu.memory_space<hbm>>
      %dma_start3A_42 = tpu.memref_squeeze %dma_start3A_41 : memref<1x2x40x128xi32, #tpu.memory_space<hbm>> -> memref<2x40x128xi32, #tpu.memory_space<hbm>>
      %dma_start3A_43 = arith.constant 0 : i32
      %dma_start3A_44 = arith.constant 0 : i32
      %dma_start3A_45 = tpu.memref_slice %dma_start3A_42[%run_scoped3A_18, %dma_start3A_43, %dma_start3A_44] : memref<2x40x128xi32, #tpu.memory_space<hbm>> -> memref<1x40x128xi32, #tpu.memory_space<hbm>>
      %dma_start3A_46 = tpu.memref_squeeze %dma_start3A_45 : memref<1x40x128xi32, #tpu.memory_space<hbm>> -> memref<40x128xi32, #tpu.memory_space<hbm>>
      %dma_start3A_47 = arith.constant 0 : i32
      %dma_start3A_48 = arith.constant 0 : i32
      %dma_start3A_49 = arith.constant 0 : i32
      %dma_start3A_50 = tpu.memref_slice %arg4[%add3A, %dma_start3A_47, %dma_start3A_48, %dma_start3A_49] : memref<32x2x40x128xi32, #tpu.memory_space<hbm>> -> memref<1x2x40x128xi32, #tpu.memory_space<hbm>>
      %dma_start3A_51 = tpu.memref_squeeze %dma_start3A_50 : memref<1x2x40x128xi32, #tpu.memory_space<hbm>> -> memref<2x40x128xi32, #tpu.memory_space<hbm>>
      %dma_start3A_52 = arith.constant 0 : i32
      %dma_start3A_53 = arith.constant 0 : i32
      %dma_start3A_54 = tpu.memref_slice %dma_start3A_51[%run_scoped3A_18, %dma_start3A_52, %dma_start3A_53] : memref<2x40x128xi32, #tpu.memory_space<hbm>> -> memref<1x40x128xi32, #tpu.memory_space<hbm>>
      %dma_start3A_55 = tpu.memref_squeeze %dma_start3A_54 : memref<1x40x128xi32, #tpu.memory_space<hbm>> -> memref<40x128xi32, #tpu.memory_space<hbm>>
      tpu.enqueue_dma source(%dma_start3A_55 : memref<40x128xi32, #tpu.memory_space<hbm>>) target(%arg8 : memref<40x128xi32, #tpu.memory_space<vmem>>) target_semaphore(%run_scoped3A_37 : memref<!tpu.dma_semaphore, #tpu.memory_space<semaphore_mem>>)
      %dma_wait3A = arith.constant 0 : i32
      %dma_wait3A_56 = arith.constant 0 : i32
      %dma_wait3A_57 = arith.constant 0 : i32
      %dma_wait3A_58 = tpu.memref_slice %arg4[%add3A, %dma_wait3A, %dma_wait3A_56, %dma_wait3A_57] : memref<32x2x40x128xi32, #tpu.memory_space<hbm>> -> memref<1x2x40x128xi32, #tpu.memory_space<hbm>>
      %dma_wait3A_59 = tpu.memref_squeeze %dma_wait3A_58 : memref<1x2x40x128xi32, #tpu.memory_space<hbm>> -> memref<2x40x128xi32, #tpu.memory_space<hbm>>
      %dma_wait3A_60 = arith.constant 0 : i32
      %dma_wait3A_61 = arith.constant 0 : i32
      %dma_wait3A_62 = tpu.memref_slice %dma_wait3A_59[%run_scoped3A_18, %dma_wait3A_60, %dma_wait3A_61] : memref<2x40x128xi32, #tpu.memory_space<hbm>> -> memref<1x40x128xi32, #tpu.memory_space<hbm>>
      %dma_wait3A_63 = tpu.memref_squeeze %dma_wait3A_62 : memref<1x40x128xi32, #tpu.memory_space<hbm>> -> memref<40x128xi32, #tpu.memory_space<hbm>>
      %dma_wait3A_64 = arith.constant 0 : i32
      %dma_wait3A_65 = arith.constant 0 : i32
      %dma_wait3A_66 = arith.constant 0 : i32
      %dma_wait3A_67 = tpu.memref_slice %arg4[%add3A, %dma_wait3A_64, %dma_wait3A_65, %dma_wait3A_66] : memref<32x2x40x128xi32, #tpu.memory_space<hbm>> -> memref<1x2x40x128xi32, #tpu.memory_space<hbm>>
      %dma_wait3A_68 = tpu.memref_squeeze %dma_wait3A_67 : memref<1x2x40x128xi32, #tpu.memory_space<hbm>> -> memref<2x40x128xi32, #tpu.memory_space<hbm>>
      %dma_wait3A_69 = arith.constant 0 : i32
      %dma_wait3A_70 = arith.constant 0 : i32
      %dma_wait3A_71 = tpu.memref_slice %dma_wait3A_68[%run_scoped3A_18, %dma_wait3A_69, %dma_wait3A_70] : memref<2x40x128xi32, #tpu.memory_space<hbm>> -> memref<1x40x128xi32, #tpu.memory_space<hbm>>
      %dma_wait3A_72 = tpu.memref_squeeze %dma_wait3A_71 : memref<1x40x128xi32, #tpu.memory_space<hbm>> -> memref<40x128xi32, #tpu.memory_space<hbm>>
      tpu.wait_dma2 semaphore(%run_scoped3A_37 : memref<!tpu.dma_semaphore, #tpu.memory_space<semaphore_mem>>) src(%dma_wait3A_72 : memref<40x128xi32, #tpu.memory_space<hbm>>) dst(%arg8 : memref<40x128xi32, #tpu.memory_space<vmem>>)
      tpu.yield
    }) : () -> ()
    %dma_start3A_19 = arith.constant 0 : i32
    %dma_start3A_20 = arith.constant 0 : i32
    %dma_start3A_21 = tpu.memref_slice %arg7[%dma_start3A_19, %dma_start3A_20] : memref<40x128xi32, #tpu.memory_space<vmem>> -> memref<1x128xi32, #tpu.memory_space<vmem>>
    %dma_start3A_22 = tpu.memref_squeeze %dma_start3A_21 : memref<1x128xi32, #tpu.memory_space<vmem>> -> memref<128xi32, #tpu.memory_space<vmem>>
    %dma_start3A_23 = arith.constant 0 : i32
    %dma_start3A_24 = arith.constant 0 : i32
    %dma_start3A_25 = tpu.memref_slice %arg2[%dma_start3A_23, %dma_start3A_24] : memref<10240x128xf32, #tpu.memory_space<hbm>> -> memref<10240x128xf32, #tpu.memory_space<hbm>>
    tpu.enqueue_indirect_dma source(%dma_start3A_25 : memref<10240x128xf32, #tpu.memory_space<hbm>>) target(%arg9 : memref<128x128xf32, #tpu.memory_space<vmem>>) offsets(%dma_start3A_22 : memref<128xi32, #tpu.memory_space<vmem>>) semaphore(%arg11 : memref<!tpu.dma_semaphore, #tpu.memory_space<semaphore_mem>>)
    %scan3A_26 = arith.constant 0 : i32
    %scan3A_27 = arith.constant 0 : i32
    %scan3A_28 = arith.constant 20 : i32
    %scan3A_29 = arith.addi %scan3A_27, %scan3A_28 : i32
    %scan3A_30 = arith.constant 1 : i32
    scf.for %scan3A_37 = %scan3A_27 to %scan3A_29 step %scan3A_30  : i32 {
      %mul3A_38 = arith.constant 2 : i32
      %mul3A_39 = arith.muli %scan3A_37, %mul3A_38 : i32
      %add3A_40 = arith.constant 0 : i32
      %add3A_41 = arith.addi %mul3A_39, %add3A_40 : i32
      %add3A_42 = arith.constant 1 : i32
      %add3A_43 = arith.addi %add3A_41, %add3A_42 : i32
      %lt3A = arith.constant 40 : i32
      %lt3A_44 = arith.cmpi slt, %add3A_43, %lt3A : i32
      %convert_element_type3A = arith.extui %lt3A_44 : i1 to i32
      %cond3A = arith.constant 0 : i32
      %cond3A_45 = arith.cmpi ne, %convert_element_type3A, %cond3A : i32
      scf.if %cond3A_45 {
        %dma_start3A_68 = arith.constant 0 : i32
        %dma_start3A_69 = tpu.memref_slice %arg7[%add3A_43, %dma_start3A_68] : memref<40x128xi32, #tpu.memory_space<vmem>> -> memref<1x128xi32, #tpu.memory_space<vmem>>
        %dma_start3A_70 = tpu.memref_squeeze %dma_start3A_69 : memref<1x128xi32, #tpu.memory_space<vmem>> -> memref<128xi32, #tpu.memory_space<vmem>>
        %dma_start3A_71 = arith.constant 0 : i32
        %dma_start3A_72 = arith.constant 0 : i32
        %dma_start3A_73 = tpu.memref_slice %arg2[%dma_start3A_71, %dma_start3A_72] : memref<10240x128xf32, #tpu.memory_space<hbm>> -> memref<10240x128xf32, #tpu.memory_space<hbm>>
        tpu.enqueue_indirect_dma source(%dma_start3A_73 : memref<10240x128xf32, #tpu.memory_space<hbm>>) target(%arg10 : memref<128x128xf32, #tpu.memory_space<vmem>>) offsets(%dma_start3A_70 : memref<128xi32, #tpu.memory_space<vmem>>) semaphore(%arg12 : memref<!tpu.dma_semaphore, #tpu.memory_space<semaphore_mem>>)
      } else {
      }
      %dma_wait3A = arith.constant 0 : i32
      %dma_wait3A_46 = tpu.memref_slice %arg7[%add3A_41, %dma_wait3A] : memref<40x128xi32, #tpu.memory_space<vmem>> -> memref<1x128xi32, #tpu.memory_space<vmem>>
      %dma_wait3A_47 = tpu.memref_squeeze %dma_wait3A_46 : memref<1x128xi32, #tpu.memory_space<vmem>> -> memref<128xi32, #tpu.memory_space<vmem>>
      %dma_wait3A_48 = arith.constant 0 : i32
      %dma_wait3A_49 = arith.constant 0 : i32
      %dma_wait3A_50 = tpu.memref_slice %arg2[%dma_wait3A_48, %dma_wait3A_49] : memref<10240x128xf32, #tpu.memory_space<hbm>> -> memref<10240x128xf32, #tpu.memory_space<hbm>>
      tpu.wait_indirect_dma semaphore(%arg11 : memref<!tpu.dma_semaphore, #tpu.memory_space<semaphore_mem>>) src(%dma_wait3A_50 : memref<10240x128xf32, #tpu.memory_space<hbm>>) dst(%arg9 : memref<128x128xf32, #tpu.memory_space<vmem>>)
      "tpu.region"() ({
        %run_scoped3A_68 = tpu.sem_alloc : memref<!tpu.dma_semaphore, #tpu.memory_space<semaphore_mem>>
        %dma_start3A_69 = arith.constant 0 : i32
        %dma_start3A_70 = tpu.memref_slice %arg8[%add3A_41, %dma_start3A_69] : memref<40x128xi32, #tpu.memory_space<vmem>> -> memref<1x128xi32, #tpu.memory_space<vmem>>
        %dma_start3A_71 = tpu.memref_squeeze %dma_start3A_70 : memref<1x128xi32, #tpu.memory_space<vmem>> -> memref<128xi32, #tpu.memory_space<vmem>>
        %dma_start3A_72 = arith.constant 0 : i32
        %dma_start3A_73 = arith.constant 0 : i32
        %dma_start3A_74 = tpu.memref_slice %arg13[%dma_start3A_72, %dma_start3A_73] : memref<10240x128xf32, #tpu.memory_space<vmem_shared>> -> memref<10240x128xf32, #tpu.memory_space<vmem_shared>>
        tpu.enqueue_indirect_dma source(%arg9 : memref<128x128xf32, #tpu.memory_space<vmem>>) target(%dma_start3A_74 : memref<10240x128xf32, #tpu.memory_space<vmem_shared>>) offsets(%dma_start3A_71 : memref<128xi32, #tpu.memory_space<vmem>>) semaphore(%run_scoped3A_68 : memref<!tpu.dma_semaphore, #tpu.memory_space<semaphore_mem>>) {add = true}
        %dma_wait3A_75 = arith.constant 0 : i32
        %dma_wait3A_76 = tpu.memref_slice %arg8[%add3A_41, %dma_wait3A_75] : memref<40x128xi32, #tpu.memory_space<vmem>> -> memref<1x128xi32, #tpu.memory_space<vmem>>
        %dma_wait3A_77 = tpu.memref_squeeze %dma_wait3A_76 : memref<1x128xi32, #tpu.memory_space<vmem>> -> memref<128xi32, #tpu.memory_space<vmem>>
        %dma_wait3A_78 = arith.constant 0 : i32
        %dma_wait3A_79 = arith.constant 0 : i32
        %dma_wait3A_80 = tpu.memref_slice %arg13[%dma_wait3A_78, %dma_wait3A_79] : memref<10240x128xf32, #tpu.memory_space<vmem_shared>> -> memref<10240x128xf32, #tpu.memory_space<vmem_shared>>
        tpu.wait_indirect_dma semaphore(%run_scoped3A_68 : memref<!tpu.dma_semaphore, #tpu.memory_space<semaphore_mem>>) src(%arg9 : memref<128x128xf32, #tpu.memory_space<vmem>>) dst(%dma_wait3A_80 : memref<10240x128xf32, #tpu.memory_space<vmem_shared>>)
        tpu.yield
      }) : () -> ()
      %mul3A_51 = arith.constant 2 : i32
      %mul3A_52 = arith.muli %scan3A_37, %mul3A_51 : i32
      %add3A_53 = arith.constant 1 : i32
      %add3A_54 = arith.addi %mul3A_52, %add3A_53 : i32
      %add3A_55 = arith.constant 1 : i32
      %add3A_56 = arith.addi %add3A_54, %add3A_55 : i32
      %lt3A_57 = arith.constant 40 : i32
      %lt3A_58 = arith.cmpi slt, %add3A_56, %lt3A_57 : i32
      %convert_element_type3A_59 = arith.extui %lt3A_58 : i1 to i32
      %cond3A_60 = arith.constant 0 : i32
      %cond3A_61 = arith.cmpi ne, %convert_element_type3A_59, %cond3A_60 : i32
      scf.if %cond3A_61 {
        %dma_start3A_68 = arith.constant 0 : i32
        %dma_start3A_69 = tpu.memref_slice %arg7[%add3A_56, %dma_start3A_68] : memref<40x128xi32, #tpu.memory_space<vmem>> -> memref<1x128xi32, #tpu.memory_space<vmem>>
        %dma_start3A_70 = tpu.memref_squeeze %dma_start3A_69 : memref<1x128xi32, #tpu.memory_space<vmem>> -> memref<128xi32, #tpu.memory_space<vmem>>
        %dma_start3A_71 = arith.constant 0 : i32
        %dma_start3A_72 = arith.constant 0 : i32
        %dma_start3A_73 = tpu.memref_slice %arg2[%dma_start3A_71, %dma_start3A_72] : memref<10240x128xf32, #tpu.memory_space<hbm>> -> memref<10240x128xf32, #tpu.memory_space<hbm>>
        tpu.enqueue_indirect_dma source(%dma_start3A_73 : memref<10240x128xf32, #tpu.memory_space<hbm>>) target(%arg9 : memref<128x128xf32, #tpu.memory_space<vmem>>) offsets(%dma_start3A_70 : memref<128xi32, #tpu.memory_space<vmem>>) semaphore(%arg11 : memref<!tpu.dma_semaphore, #tpu.memory_space<semaphore_mem>>)
      } else {
      }
      %dma_wait3A_62 = arith.constant 0 : i32
      %dma_wait3A_63 = tpu.memref_slice %arg7[%add3A_54, %dma_wait3A_62] : memref<40x128xi32, #tpu.memory_space<vmem>> -> memref<1x128xi32, #tpu.memory_space<vmem>>
      %dma_wait3A_64 = tpu.memref_squeeze %dma_wait3A_63 : memref<1x128xi32, #tpu.memory_space<vmem>> -> memref<128xi32, #tpu.memory_space<vmem>>
      %dma_wait3A_65 = arith.constant 0 : i32
      %dma_wait3A_66 = arith.constant 0 : i32
      %dma_wait3A_67 = tpu.memref_slice %arg2[%dma_wait3A_65, %dma_wait3A_66] : memref<10240x128xf32, #tpu.memory_space<hbm>> -> memref<10240x128xf32, #tpu.memory_space<hbm>>
      tpu.wait_indirect_dma semaphore(%arg12 : memref<!tpu.dma_semaphore, #tpu.memory_space<semaphore_mem>>) src(%dma_wait3A_67 : memref<10240x128xf32, #tpu.memory_space<hbm>>) dst(%arg10 : memref<128x128xf32, #tpu.memory_space<vmem>>)
      "tpu.region"() ({
        %run_scoped3A_68 = tpu.sem_alloc : memref<!tpu.dma_semaphore, #tpu.memory_space<semaphore_mem>>
        %dma_start3A_69 = arith.constant 0 : i32
        %dma_start3A_70 = tpu.memref_slice %arg8[%add3A_54, %dma_start3A_69] : memref<40x128xi32, #tpu.memory_space<vmem>> -> memref<1x128xi32, #tpu.memory_space<vmem>>
        %dma_start3A_71 = tpu.memref_squeeze %dma_start3A_70 : memref<1x128xi32, #tpu.memory_space<vmem>> -> memref<128xi32, #tpu.memory_space<vmem>>
        %dma_start3A_72 = arith.constant 0 : i32
        %dma_start3A_73 = arith.constant 0 : i32
        %dma_start3A_74 = tpu.memref_slice %arg13[%dma_start3A_72, %dma_start3A_73] : memref<10240x128xf32, #tpu.memory_space<vmem_shared>> -> memref<10240x128xf32, #tpu.memory_space<vmem_shared>>
        tpu.enqueue_indirect_dma source(%arg10 : memref<128x128xf32, #tpu.memory_space<vmem>>) target(%dma_start3A_74 : memref<10240x128xf32, #tpu.memory_space<vmem_shared>>) offsets(%dma_start3A_71 : memref<128xi32, #tpu.memory_space<vmem>>) semaphore(%run_scoped3A_68 : memref<!tpu.dma_semaphore, #tpu.memory_space<semaphore_mem>>) {add = true}
        %dma_wait3A_75 = arith.constant 0 : i32
        %dma_wait3A_76 = tpu.memref_slice %arg8[%add3A_54, %dma_wait3A_75] : memref<40x128xi32, #tpu.memory_space<vmem>> -> memref<1x128xi32, #tpu.memory_space<vmem>>
        %dma_wait3A_77 = tpu.memref_squeeze %dma_wait3A_76 : memref<1x128xi32, #tpu.memory_space<vmem>> -> memref<128xi32, #tpu.memory_space<vmem>>
        %dma_wait3A_78 = arith.constant 0 : i32
        %dma_wait3A_79 = arith.constant 0 : i32
        %dma_wait3A_80 = tpu.memref_slice %arg13[%dma_wait3A_78, %dma_wait3A_79] : memref<10240x128xf32, #tpu.memory_space<vmem_shared>> -> memref<10240x128xf32, #tpu.memory_space<vmem_shared>>
        tpu.wait_indirect_dma semaphore(%run_scoped3A_68 : memref<!tpu.dma_semaphore, #tpu.memory_space<semaphore_mem>>) src(%arg10 : memref<128x128xf32, #tpu.memory_space<vmem>>) dst(%dma_wait3A_80 : memref<10240x128xf32, #tpu.memory_space<vmem_shared>>)
        tpu.yield
      }) : () -> ()
    }
    %scan3A_31 = arith.constant 20 : i32
    %barrier3A_32 = arith.constant 0 : index
    tpu.barrier barrier_id(%barrier3A_32)
    %mul3A_33 = arith.constant 640 : i32
    %mul3A_34 = arith.muli %arg1, %mul3A_33 : i32
    %mul3A_35 = arith.constant 640 : i32
    %mul3A_36 = arith.muli %arg1, %mul3A_35 : i32
    "tpu.region"() ({
      %run_scoped3A_37 = tpu.sem_alloc : memref<!tpu.dma_semaphore, #tpu.memory_space<semaphore_mem>>
      %dma_start3A_38 = arith.constant 0 : i32
      %dma_start3A_39 = tpu.memref_slice %arg6[%arg0, %mul3A_36, %dma_start3A_38] : memref<2x10240x128xf32, #tpu.memory_space<hbm>> -> memref<1x640x128xf32, #tpu.memory_space<hbm>>
      %dma_start3A_40 = tpu.memref_squeeze %dma_start3A_39 : memref<1x640x128xf32, #tpu.memory_space<hbm>> -> memref<640x128xf32, #tpu.memory_space<hbm>>
      %dma_start3A_41 = arith.constant 0 : i32
      %dma_start3A_42 = tpu.memref_slice %arg13[%mul3A_34, %dma_start3A_41] : memref<10240x128xf32, #tpu.memory_space<vmem_shared>> -> memref<640x128xf32, #tpu.memory_space<vmem_shared>>
      tpu.enqueue_dma source(%dma_start3A_42 : memref<640x128xf32, #tpu.memory_space<vmem_shared>>) target(%dma_start3A_40 : memref<640x128xf32, #tpu.memory_space<hbm>>) target_semaphore(%run_scoped3A_37 : memref<!tpu.dma_semaphore, #tpu.memory_space<semaphore_mem>>)
      %dma_wait3A = arith.constant 0 : i32
      %dma_wait3A_43 = tpu.memref_slice %arg6[%arg0, %mul3A_36, %dma_wait3A] : memref<2x10240x128xf32, #tpu.memory_space<hbm>> -> memref<1x640x128xf32, #tpu.memory_space<hbm>>
      %dma_wait3A_44 = tpu.memref_squeeze %dma_wait3A_43 : memref<1x640x128xf32, #tpu.memory_space<hbm>> -> memref<640x128xf32, #tpu.memory_space<hbm>>
      %dma_wait3A_45 = arith.constant 0 : i32
      %dma_wait3A_46 = tpu.memref_slice %arg13[%mul3A_34, %dma_wait3A_45] : memref<10240x128xf32, #tpu.memory_space<vmem_shared>> -> memref<640x128xf32, #tpu.memory_space<vmem_shared>>
      tpu.wait_dma2 semaphore(%run_scoped3A_37 : memref<!tpu.dma_semaphore, #tpu.memory_space<semaphore_mem>>) src(%dma_wait3A_46 : memref<640x128xf32, #tpu.memory_space<vmem_shared>>) dst(%dma_wait3A_44 : memref<640x128xf32, #tpu.memory_space<hbm>>)
      tpu.yield
    }) : () -> ()
    return
  }
}

module attributes {stable_mosaic.version = 14 : i64} {
  func.func @_mmscale_body(%arg0: i32, %arg1: memref<512x128xf32, #tpu.memory_space<vmem>>, %arg2: memref<128x128xf32, #tpu.memory_space<vmem>>, %arg3: memref<512x128xf32, #tpu.memory_space<vmem>>, %arg4: memref<512x128xf32, #tpu.memory_space<vmem>>, %arg5: memref<512x128xf32, #tpu.memory_space<vmem>>) attributes {dimension_semantics = [#tpu.dimension_semantics<arbitrary>], iteration_bounds = array<i64: 20>, scalar_prefetch = 0 : i64, scratch_operands = 0 : i64, tpu.core_type = #tpu.core_type<tc>, window_params = [{transform_indices = @transform_0, window_bounds = array<i64: 512, 128>}, {pipeline_mode = #tpu.pipeline_mode<synchronous>, transform_indices = @transform_1, window_bounds = array<i64: 128, 128>}, {transform_indices = @transform_2, window_bounds = array<i64: 512, 128>}, {transform_indices = @transform_3, window_bounds = array<i64: 512, 128>}, {transform_indices = @transform_4, window_bounds = array<i64: 512, 128>}]} {
    %get3A = arith.constant 0 : index
    %get3A_0 = arith.constant 0 : index
    %get3A_1 = vector.load %arg1[%get3A, %get3A_0] : memref<512x128xf32, #tpu.memory_space<vmem>>, vector<512x128xf32>
    %get3A_2 = arith.constant 0 : index
    %get3A_3 = arith.constant 0 : index
    %get3A_4 = vector.load %arg2[%get3A_2, %get3A_3] : memref<128x128xf32, #tpu.memory_space<vmem>>, vector<128x128xf32>
    %dot_general3A = arith.constant dense<0.000000e+00> : vector<512x128xf32>
    %dot_general3A_5 = tpu.matmul %get3A_1, %get3A_4, %dot_general3A {dimension_numbers = #tpu.dot_dimension_numbers<[1], [0], [0], [1], [0, 0, 1, 1], [], []>, transpose_lhs_hint = false} : vector<512x128xf32>, vector<128x128xf32>, vector<512x128xf32> -> vector<512x128xf32>
    %get3A_6 = arith.constant 0 : index
    %get3A_7 = arith.constant 0 : index
    %get3A_8 = vector.load %arg3[%get3A_6, %get3A_7] : memref<512x128xf32, #tpu.memory_space<vmem>>, vector<512x1xf32>
    %get3A_9 = arith.constant 0 : index
    %get3A_10 = arith.constant 0 : index
    %get3A_11 = vector.load %arg4[%get3A_9, %get3A_10] : memref<512x128xf32, #tpu.memory_space<vmem>>, vector<512x1xf32>
    %add3A = arith.addf %get3A_8, %get3A_11 : vector<512x1xf32>
    %add3A_12 = arith.constant 1.000000e+00 : f32
    %add3A_13 = vector.broadcast %add3A_12 : f32 to vector<512x1xf32>
    %add3A_14 = arith.addf %add3A, %add3A_13 : vector<512x1xf32>
    %rsqrt3A = math.rsqrt %add3A_14 : vector<512x1xf32>
    %mul3A = vector.broadcast %rsqrt3A : vector<512x1xf32> to vector<512x128xf32>
    %mul3A_15 = arith.mulf %dot_general3A_5, %mul3A : vector<512x128xf32>
    %swap3A = arith.constant 0 : index
    %swap3A_16 = arith.constant 0 : index
    %swap3A_17 = vector.load %arg5[%swap3A, %swap3A_16] : memref<512x128xf32, #tpu.memory_space<vmem>>, vector<512x128xf32>
    tpu.vector_store %arg5[%swap3A, %swap3A_16], %mul3A_15 {strides = array<i32>} : memref<512x128xf32, #tpu.memory_space<vmem>>, vector<512x128xf32>,
    return
  }
  func.func @transform_0(%arg0: i32) -> (i32, i32) {
    %c0_i32 = arith.constant 0 : i32
    %c0_i32_0 = arith.constant 0 : i32
    return %arg0, %c0_i32 : i32, i32
  }
  func.func @transform_1(%arg0: i32) -> (i32, i32) {
    %c0_i32 = arith.constant 0 : i32
    %c0_i32_0 = arith.constant 0 : i32
    %c0_i32_1 = arith.constant 0 : i32
    return %c0_i32, %c0_i32_0 : i32, i32
  }
  func.func @transform_2(%arg0: i32) -> (i32, i32) {
    %c0_i32 = arith.constant 0 : i32
    %c0_i32_0 = arith.constant 0 : i32
    return %arg0, %c0_i32 : i32, i32
  }
  func.func @transform_3(%arg0: i32) -> (i32, i32) {
    %c0_i32 = arith.constant 0 : i32
    %c0_i32_0 = arith.constant 0 : i32
    return %arg0, %c0_i32 : i32, i32
  }
  func.func @transform_4(%arg0: i32) -> (i32, i32) {
    %c0_i32 = arith.constant 0 : i32
    %c0_i32_0 = arith.constant 0 : i32
    return %arg0, %c0_i32 : i32, i32
  }
}

module attributes {stable_mosaic.version = 14 : i64} {
  func.func @_comb2_body(%arg0: i32, %arg1: memref<512x128xf32, #tpu.memory_space<vmem>>, %arg2: memref<512x128xf32, #tpu.memory_space<vmem>>, %arg3: memref<512x128xf32, #tpu.memory_space<vmem>>, %arg4: memref<512x128xf32, #tpu.memory_space<vmem>>, %arg5: memref<512x128xf32, #tpu.memory_space<vmem>>, %arg6: memref<1x128xf32, #tpu.memory_space<vmem>>, %arg7: memref<128x128xf32, #tpu.memory_space<vmem>>, %arg8: memref<512x128xf32, #tpu.memory_space<vmem>>) attributes {dimension_semantics = [#tpu.dimension_semantics<arbitrary>], iteration_bounds = array<i64: 20>, scalar_prefetch = 0 : i64, scratch_operands = 0 : i64, tpu.core_type = #tpu.core_type<tc>, window_params = [{transform_indices = @transform_0, window_bounds = array<i64: 512, 128>}, {transform_indices = @transform_1, window_bounds = array<i64: 512, 128>}, {transform_indices = @transform_2, window_bounds = array<i64: 512, 128>}, {transform_indices = @transform_3, window_bounds = array<i64: 512, 128>}, {transform_indices = @transform_4, window_bounds = array<i64: 512, 128>}, {pipeline_mode = #tpu.pipeline_mode<synchronous>, transform_indices = @transform_5, window_bounds = array<i64: 1, 128>}, {pipeline_mode = #tpu.pipeline_mode<synchronous>, transform_indices = @transform_6, window_bounds = array<i64: 128, 128>}, {transform_indices = @transform_7, window_bounds = array<i64: 512, 128>}]} {
    %get3A = arith.constant 0 : index
    %get3A_0 = arith.constant 0 : index
    %get3A_1 = vector.load %arg4[%get3A, %get3A_0] : memref<512x128xf32, #tpu.memory_space<vmem>>, vector<512x1xf32>
    %get3A_2 = arith.constant 0 : index
    %get3A_3 = arith.constant 0 : index
    %get3A_4 = vector.load %arg5[%get3A_2, %get3A_3] : memref<512x128xf32, #tpu.memory_space<vmem>>, vector<512x1xf32>
    %add3A = arith.addf %get3A_1, %get3A_4 : vector<512x1xf32>
    %add3A_5 = arith.constant 1.000000e+00 : f32
    %add3A_6 = vector.broadcast %add3A_5 : f32 to vector<512x1xf32>
    %add3A_7 = arith.addf %add3A, %add3A_6 : vector<512x1xf32>
    %rsqrt3A = math.rsqrt %add3A_7 : vector<512x1xf32>
    %get3A_8 = arith.constant 0 : index
    %get3A_9 = arith.constant 0 : index
    %get3A_10 = vector.load %arg1[%get3A_8, %get3A_9] : memref<512x128xf32, #tpu.memory_space<vmem>>, vector<512x128xf32>
    %get3A_11 = arith.constant 0 : index
    %get3A_12 = arith.constant 0 : index
    %get3A_13 = vector.load %arg2[%get3A_11, %get3A_12] : memref<512x128xf32, #tpu.memory_space<vmem>>, vector<512x128xf32>
    %add3A_14 = arith.addf %get3A_10, %get3A_13 : vector<512x128xf32>
    %get3A_15 = arith.constant 0 : index
    %get3A_16 = arith.constant 0 : index
    %get3A_17 = vector.load %arg3[%get3A_15, %get3A_16] : memref<512x128xf32, #tpu.memory_space<vmem>>, vector<512x128xf32>
    %add3A_18 = arith.addf %add3A_14, %get3A_17 : vector<512x128xf32>
    %mul3A = vector.broadcast %rsqrt3A : vector<512x1xf32> to vector<512x128xf32>
    %mul3A_19 = arith.mulf %add3A_18, %mul3A : vector<512x128xf32>
    %get3A_20 = arith.constant 0 : index
    %get3A_21 = arith.constant 0 : index
    %get3A_22 = vector.load %arg6[%get3A_20, %get3A_21] : memref<1x128xf32, #tpu.memory_space<vmem>>, vector<1x128xf32>
    %add3A_23 = vector.broadcast %get3A_22 : vector<1x128xf32> to vector<512x128xf32>
    %add3A_24 = arith.addf %mul3A_19, %add3A_23 : vector<512x128xf32>
    %max3A = arith.constant 0.000000e+00 : f32
    %max3A_25 = vector.broadcast %max3A : f32 to vector<512x128xf32>
    %max3A_26 = arith.maximumf %add3A_24, %max3A_25 : vector<512x128xf32>
    %iota3A = tpu.iota {dimensions = array<i32: 0>} : vector<512x1xi32>
    %mul3A_27 = arith.constant 512 : i32
    %mul3A_28 = arith.muli %arg0, %mul3A_27 : i32
    %add3A_29 = vector.broadcast %mul3A_28 : i32 to vector<512x1xi32>
    %add3A_30 = arith.addi %iota3A, %add3A_29 : vector<512x1xi32>
    %lt3A = arith.constant 10000 : i32
    %lt3A_31 = vector.broadcast %lt3A : i32 to vector<512x1xi32>
    %lt3A_32 = arith.cmpi slt, %add3A_30, %lt3A_31 : vector<512x1xi32>
    %jit3A = arith.constant 0.000000e+00 : f32
    %broadcast_in_dim3A = vector.shape_cast %lt3A_32 : vector<512x1xi1> to vector<512x1xi1>
    %broadcast_in_dim3A_33 = vector.broadcast %broadcast_in_dim3A : vector<512x1xi1> to vector<512x128xi1>
    %broadcast_in_dim3A_34 = vector.broadcast %jit3A : f32 to vector<512x128xf32>
    %select_n3A = arith.select %broadcast_in_dim3A_33, %max3A_26, %broadcast_in_dim3A_34 : vector<512x128xi1>, vector<512x128xf32>
    %get3A_35 = arith.constant 0 : index
    %get3A_36 = arith.constant 0 : index
    %get3A_37 = vector.load %arg7[%get3A_35, %get3A_36] : memref<128x128xf32, #tpu.memory_space<vmem>>, vector<128x128xf32>
    %dot_general3A = arith.constant dense<0.000000e+00> : vector<512x128xf32>
    %dot_general3A_38 = tpu.matmul %select_n3A, %get3A_37, %dot_general3A {dimension_numbers = #tpu.dot_dimension_numbers<[1], [0], [0], [1], [0, 0, 1, 1], [], []>, transpose_lhs_hint = false} : vector<512x128xf32>, vector<128x128xf32>, vector<512x128xf32> -> vector<512x128xf32>
    %mul3A_39 = vector.broadcast %rsqrt3A : vector<512x1xf32> to vector<512x128xf32>
    %mul3A_40 = arith.mulf %dot_general3A_38, %mul3A_39 : vector<512x128xf32>
    %swap3A = arith.constant 0 : index
    %swap3A_41 = arith.constant 0 : index
    %swap3A_42 = vector.load %arg8[%swap3A, %swap3A_41] : memref<512x128xf32, #tpu.memory_space<vmem>>, vector<512x128xf32>
    tpu.vector_store %arg8[%swap3A, %swap3A_41], %mul3A_40 {strides = array<i32>} : memref<512x128xf32, #tpu.memory_space<vmem>>, vector<512x128xf32>,
    return
  }
  func.func @transform_0(%arg0: i32) -> (i32, i32) {
    %c0_i32 = arith.constant 0 : i32
    %c0_i32_0 = arith.constant 0 : i32
    return %arg0, %c0_i32 : i32, i32
  }
  func.func @transform_1(%arg0: i32) -> (i32, i32) {
    %c0_i32 = arith.constant 0 : i32
    %c0_i32_0 = arith.constant 0 : i32
    return %arg0, %c0_i32 : i32, i32
  }
  func.func @transform_2(%arg0: i32) -> (i32, i32) {
    %c0_i32 = arith.constant 0 : i32
    %c0_i32_0 = arith.constant 0 : i32
    return %arg0, %c0_i32 : i32, i32
  }
  func.func @transform_3(%arg0: i32) -> (i32, i32) {
    %c0_i32 = arith.constant 0 : i32
    %c0_i32_0 = arith.constant 0 : i32
    return %arg0, %c0_i32 : i32, i32
  }
  func.func @transform_4(%arg0: i32) -> (i32, i32) {
    %c0_i32 = arith.constant 0 : i32
    %c0_i32_0 = arith.constant 0 : i32
    return %arg0, %c0_i32 : i32, i32
  }
  func.func @transform_5(%arg0: i32) -> (i32, i32) {
    %c0_i32 = arith.constant 0 : i32
    %c0_i32_0 = arith.constant 0 : i32
    %c0_i32_1 = arith.constant 0 : i32
    return %c0_i32, %c0_i32_0 : i32, i32
  }
  func.func @transform_6(%arg0: i32) -> (i32, i32) {
    %c0_i32 = arith.constant 0 : i32
    %c0_i32_0 = arith.constant 0 : i32
    %c0_i32_1 = arith.constant 0 : i32
    return %c0_i32, %c0_i32_0 : i32, i32
  }
  func.func @transform_7(%arg0: i32) -> (i32, i32) {
    %c0_i32 = arith.constant 0 : i32
    %c0_i32_0 = arith.constant 0 : i32
    return %arg0, %c0_i32 : i32, i32
  }
}

module attributes {stable_mosaic.version = 14 : i64} {
  func.func @_fin_body(%arg0: i32, %arg1: memref<512x128xf32, #tpu.memory_space<vmem>>, %arg2: memref<512x128xf32, #tpu.memory_space<vmem>>, %arg3: memref<512x128xf32, #tpu.memory_space<vmem>>, %arg4: memref<512x128xf32, #tpu.memory_space<vmem>>, %arg5: memref<512x128xf32, #tpu.memory_space<vmem>>, %arg6: memref<1x128xf32, #tpu.memory_space<vmem>>, %arg7: memref<512x128xf32, #tpu.memory_space<vmem>>) attributes {dimension_semantics = [#tpu.dimension_semantics<arbitrary>], iteration_bounds = array<i64: 20>, scalar_prefetch = 0 : i64, scratch_operands = 0 : i64, tpu.core_type = #tpu.core_type<tc>, window_params = [{transform_indices = @transform_0, window_bounds = array<i64: 512, 128>}, {transform_indices = @transform_1, window_bounds = array<i64: 512, 128>}, {transform_indices = @transform_2, window_bounds = array<i64: 512, 128>}, {transform_indices = @transform_3, window_bounds = array<i64: 512, 128>}, {transform_indices = @transform_4, window_bounds = array<i64: 512, 128>}, {pipeline_mode = #tpu.pipeline_mode<synchronous>, transform_indices = @transform_5, window_bounds = array<i64: 1, 128>}, {transform_indices = @transform_6, window_bounds = array<i64: 512, 128>}]} {
    %get3A = arith.constant 0 : index
    %get3A_0 = arith.constant 0 : index
    %get3A_1 = vector.load %arg4[%get3A, %get3A_0] : memref<512x128xf32, #tpu.memory_space<vmem>>, vector<512x1xf32>
    %get3A_2 = arith.constant 0 : index
    %get3A_3 = arith.constant 0 : index
    %get3A_4 = vector.load %arg5[%get3A_2, %get3A_3] : memref<512x128xf32, #tpu.memory_space<vmem>>, vector<512x1xf32>
    %add3A = arith.addf %get3A_1, %get3A_4 : vector<512x1xf32>
    %add3A_5 = arith.constant 1.000000e+00 : f32
    %add3A_6 = vector.broadcast %add3A_5 : f32 to vector<512x1xf32>
    %add3A_7 = arith.addf %add3A, %add3A_6 : vector<512x1xf32>
    %rsqrt3A = math.rsqrt %add3A_7 : vector<512x1xf32>
    %get3A_8 = arith.constant 0 : index
    %get3A_9 = arith.constant 0 : index
    %get3A_10 = vector.load %arg1[%get3A_8, %get3A_9] : memref<512x128xf32, #tpu.memory_space<vmem>>, vector<512x128xf32>
    %get3A_11 = arith.constant 0 : index
    %get3A_12 = arith.constant 0 : index
    %get3A_13 = vector.load %arg2[%get3A_11, %get3A_12] : memref<512x128xf32, #tpu.memory_space<vmem>>, vector<512x128xf32>
    %add3A_14 = arith.addf %get3A_10, %get3A_13 : vector<512x128xf32>
    %get3A_15 = arith.constant 0 : index
    %get3A_16 = arith.constant 0 : index
    %get3A_17 = vector.load %arg3[%get3A_15, %get3A_16] : memref<512x128xf32, #tpu.memory_space<vmem>>, vector<512x128xf32>
    %add3A_18 = arith.addf %add3A_14, %get3A_17 : vector<512x128xf32>
    %mul3A = vector.broadcast %rsqrt3A : vector<512x1xf32> to vector<512x128xf32>
    %mul3A_19 = arith.mulf %add3A_18, %mul3A : vector<512x128xf32>
    %get3A_20 = arith.constant 0 : index
    %get3A_21 = arith.constant 0 : index
    %get3A_22 = vector.load %arg6[%get3A_20, %get3A_21] : memref<1x128xf32, #tpu.memory_space<vmem>>, vector<1x128xf32>
    %add3A_23 = vector.broadcast %get3A_22 : vector<1x128xf32> to vector<512x128xf32>
    %add3A_24 = arith.addf %mul3A_19, %add3A_23 : vector<512x128xf32>
    %swap3A = arith.constant 0 : index
    %swap3A_25 = arith.constant 0 : index
    %swap3A_26 = vector.load %arg7[%swap3A, %swap3A_25] : memref<512x128xf32, #tpu.memory_space<vmem>>, vector<512x128xf32>
    tpu.vector_store %arg7[%swap3A, %swap3A_25], %add3A_24 {strides = array<i32>} : memref<512x128xf32, #tpu.memory_space<vmem>>, vector<512x128xf32>,
    return
  }
  func.func @transform_0(%arg0: i32) -> (i32, i32) {
    %c0_i32 = arith.constant 0 : i32
    %c0_i32_0 = arith.constant 0 : i32
    return %arg0, %c0_i32 : i32, i32
  }
  func.func @transform_1(%arg0: i32) -> (i32, i32) {
    %c0_i32 = arith.constant 0 : i32
    %c0_i32_0 = arith.constant 0 : i32
    return %arg0, %c0_i32 : i32, i32
  }
  func.func @transform_2(%arg0: i32) -> (i32, i32) {
    %c0_i32 = arith.constant 0 : i32
    %c0_i32_0 = arith.constant 0 : i32
    return %arg0, %c0_i32 : i32, i32
  }
  func.func @transform_3(%arg0: i32) -> (i32, i32) {
    %c0_i32 = arith.constant 0 : i32
    %c0_i32_0 = arith.constant 0 : i32
    return %arg0, %c0_i32 : i32, i32
  }
  func.func @transform_4(%arg0: i32) -> (i32, i32) {
    %c0_i32 = arith.constant 0 : i32
    %c0_i32_0 = arith.constant 0 : i32
    return %arg0, %c0_i32 : i32, i32
  }
  func.func @transform_5(%arg0: i32) -> (i32, i32) {
    %c0_i32 = arith.constant 0 : i32
    %c0_i32_0 = arith.constant 0 : i32
    %c0_i32_1 = arith.constant 0 : i32
    return %c0_i32, %c0_i32_0 : i32, i32
  }
  func.func @transform_6(%arg0: i32) -> (i32, i32) {
    %c0_i32 = arith.constant 0 : i32
    %c0_i32_0 = arith.constant 0 : i32
    return %arg0, %c0_i32 : i32, i32
  }
}

</mosaic_0001>

<sc_bundles>
// kernel: kernel.11.cloned.1.call-start
scs
__scs_entry_jumppad:
0x0: {  	(pc) =	sbr.rel $0x88, $3  }
0x1: {  	(tag) =	ssettag $0x0;
	lr =	simm.s32 $0x1  }
0x2: {  	[smem:$0x3F9B] =	sst lr;
	_ =	strace $0xD0000000  }
0x3: {  	_ = 	snop  }
0x4: {  	_ = 	snop  }
0x5: {  	_ = 	snop  }
0x6: {  	_ = 	snop  }
0x7: {  	_ = 	snop  }
__scs_overlays_trampoline_lowered:
0x8: {  	[smem:$0x3FAA] =	sst s0  }
0x9: {  	[smem:$0x3FAB] =	sst s1  }
0xa: {  	[smem:$0x3FAC] =	sst s2  }
0xb: {  	[smem:$0x3FAD] =	sst s3  }
0xc: {  	[smem:$0x3FAE] =	sst s4  }
0xd: {  	[smem:$0x3FAF] =	sst s5  }
0xe: {  	[smem:$0x3FB0] =	sst s6  }
0xf: {  	[smem:$0x3FB1] =	sst s7  }
0x10: {  	[smem:$0x3FB2] =	sst s8  }
0x11: {  	[smem:$0x3FB3] =	sst s9;
	s0 =	simm.s32 @!p0 $0x0  }
0x12: {  	s1 =	sld [smem:$0x3F99];
	s0 =	simm.s32 @p0 $0x1  }
0x13: {  	[smem:$0x3FB4] =	sst s0;
	s0 =	simm.s32 @!p1 $0x0  }
0x14: {  	s2 =	sld [smem:$0x3F98];
	s0 =	simm.s32 @p1 $0x1  }
0x15: {  	[smem:$0x3FB5] =	sst s0;
	s0 =	simm.s32 @!p2 $0x0  }
0x16: {  	s3 =	sld [smem:$0x3FDB];
	s0 =	simm.s32 @p2 $0x1  }
0x17: {  	s4 =	simm.s32 $0x1BF5;
	[smem:$0x3FB7] =	sst s0  }
0x18: {  	s0 =	sld [smem:$0x3F9A];
	_ =	swait.ge [sflag:s4], $0x0  }
0x19: {  	s7 =	sld [smem:$0x3F9B]  }
0x1a: {  	s8 =	sadd.s32 $0xFFFFE003, lr  }
0x1b: {  	s9 =	sadd.s32 $0xFFFFFEF7, lr;
	s5 =	simm.s32 $0xFFFFFFFF;
	p2 =	slt.u32 s8, $0xFFFFF086  }
0x1c: {  	p1 =	slt.u32 s9, $0xF7A;
	s5 =	simm.s32 @!p2 $0x0  }
0x1d: {  	s5 =	simm.s32 @p1 $0x1;
	p0 =	seq.s32 s7, s2  }
0x1e: {  	s7 =	smul.u32 @!p0 $0xF7A, s2;
	p2 =	seq.s32 @!p0 s5, $0x0  }
0x1f: {  	s9 =	smul.u32 $0xF7A, s1;
	s8 =	simm.s32 @!p0 $0x1BF5;
	p2 =	por !p2, p0  }
0x20: {  	[sflag:s8] =	ssyncset.s32 @!p0 $0xFFFFF086;
	s6 =	sadd.s32 @!p0 s3, s7;
	s7 =	simm.s32 @!p0 $0x108  }
0x21: {  	s3 =	sadd.s32 s3, s9;
	s6 =	sadd.s32 @!p0 $0x88, s6;
	s7 =	simm.s32 @p2 $0x1082  }
0x22: {  	[simem:s7], [sflag:s8] =	dma.local @!p0 [hbm:s6], $0xF7A  }
0x23: {  	s9 =	sor.u32 $0xD0000000, s2;
	s6 =	simm.s32 $0x108;
	_ =	swait.ge @!p0 [sflag:s8], $0x0  }
0x24: {  	s3 =	sadd.s32 $0x88, s3;
	s6 =	simm.s32 @!p1 $0x1082;
	[sflag:s4] =	ssyncset.s32 $0xFFFFF086  }
0x25: {  	[simem:s6], [sflag:s4] =	dma.local [hbm:s3], $0xF7A  }
0x26: {  	[smem:$0x3F9B] =	sst s1;
	(tag) =	ssettag s2;
	_ =	strace s9  }
0x27: {  	s1 =	sld [smem:$0x3FAB]  }
0x28: {  	s2 =	sld [smem:$0x3FAC]  }
0x29: {  	s4 =	sld [smem:$0x3FAE]  }
0x2a: {  	p0 =	seq.s32 s5, $0x0;
	s5 =	sld [smem:$0x3FAF]  }
0x2b: {  	s6 =	sld [smem:$0x3FB0]  }
0x2c: {  	s7 =	sld [smem:$0x3FB1]  }
0x2d: {  	s3 =	simm.s32 $0x108;
	s8 =	sld [smem:$0x3FB2]  }
0x2e: {  	s3 =	simm.s32 @!p0 $0x1082;
	s9 =	sld [smem:$0x3FB3]  }
0x2f: {  	lr =	sadd.s32 s0, s3;
	s0 =	sld [smem:$0x3FAA]  }
0x30: {  	s3 =	sld [smem:$0x3FAD]  }
0x31: {  	[smem:$0x3FB6] =	sst s10  }
0x32: {  	s10 =	sld [smem:$0x3FB4];
	_ =	sdelay $0x3  }
0x33: {  	p0 =	seq.s32 s10, $0x1;
	s10 =	sld [smem:$0x3FB6];
	_ =	sdelay $0x3  }
0x34: {  	[smem:$0x3FB6] =	sst s10  }
0x35: {  	s10 =	sld [smem:$0x3FB5];
	_ =	sdelay $0x3  }
0x36: {  	p1 =	seq.s32 s10, $0x1;
	s10 =	sld [smem:$0x3FB6];
	_ =	sdelay $0x3  }
0x37: {  	[smem:$0x3FB6] =	sst s10  }
0x38: {  	s10 =	sld [smem:$0x3FB7]  }
0x39: {  	_ = 	snop;
	(pc) =	sbr.ind lr, $3  }
0x3a: {  	_ = 	snop  }
0x3b: {  	_ = 	snop  }
0x3c: {  	p2 =	seq.s32 s10, $0x1;
	s10 =	sld [smem:$0x3FB6]  }
0x3d: {  	_ =	shalt  }
0x3e: {  	_ =	shalt  }
0x3f: {  	_ =	shalt  }
0x40: {  	_ =	shalt  }
0x41: {  	_ =	shalt  }
0x42: {  	_ =	shalt  }
0x43: {  	_ =	shalt  }
0x44: {  	_ =	shalt  }
0x45: {  	_ =	shalt  }
0x46: {  	_ =	shalt  }
0x47: {  	_ =	shalt  }
0x48: {  	_ =	shalt  }
0x49: {  	_ =	shalt  }
0x4a: {  	_ =	shalt  }
0x4b: {  	_ =	shalt  }
0x4c: {  	_ =	shalt  }
0x4d: {  	_ =	shalt  }
0x4e: {  	_ =	shalt  }
0x4f: {  	_ =	shalt  }
0x50: {  	_ =	shalt  }
0x51: {  	_ =	shalt  }
0x52: {  	_ =	shalt  }
0x53: {  	_ =	shalt  }
0x54: {  	_ =	shalt  }
0x55: {  	_ =	shalt  }
0x56: {  	_ =	shalt  }
0x57: {  	_ =	shalt  }
0x58: {  	_ =	shalt  }
0x59: {  	_ =	shalt  }
0x5a: {  	_ =	shalt  }
0x5b: {  	_ =	shalt  }
0x5c: {  	_ =	shalt  }
0x5d: {  	_ =	shalt  }
0x5e: {  	_ =	shalt  }
0x5f: {  	_ =	shalt  }
0x60: {  	_ =	shalt  }
0x61: {  	_ =	shalt  }
0x62: {  	_ =	shalt  }
0x63: {  	_ =	shalt  }
0x64: {  	_ =	shalt  }
0x65: {  	_ =	shalt  }
0x66: {  	_ =	shalt  }
0x67: {  	_ =	shalt  }
0x68: {  	_ =	shalt  }
0x69: {  	_ =	shalt  }
0x6a: {  	_ =	shalt  }
0x6b: {  	_ =	shalt  }
0x6c: {  	_ =	shalt  }
0x6d: {  	_ =	shalt  }
0x6e: {  	_ =	shalt  }
0x6f: {  	_ =	shalt  }
0x70: {  	_ =	shalt  }
0x71: {  	_ =	shalt  }
0x72: {  	_ =	shalt  }
0x73: {  	_ =	shalt  }
0x74: {  	_ =	shalt  }
0x75: {  	_ =	shalt  }
0x76: {  	_ =	shalt  }
0x77: {  	_ =	shalt  }
0x78: {  	_ =	shalt  }
0x79: {  	_ =	shalt  }
0x7a: {  	_ =	shalt  }
0x7b: {  	_ =	shalt  }
0x7c: {  	_ =	shalt  }
0x7d: {  	_ =	shalt  }
0x7e: {  	_ =	shalt  }
0x7f: {  	_ =	shalt  }
0x80: {  	_ =	shalt  }
0x81: {  	_ =	shalt  }
0x82: {  	_ =	shalt  }
0x83: {  	_ =	shalt  }
0x84: {  	_ =	shalt  }
0x85: {  	_ =	shalt  }
0x86: {  	_ =	shalt  }
0x87: {  	_ =	shalt  }
.Lfunc_end0:
.L_simem_size_0:
called_computation.1_lowered:
.L_overlay_start_0:
0x88: {  	s2 =	sld [smem:$0x3FD9]  }
0x89: {  	s3 =	sld [smem:$0x3FFE];
	_ =	sdelay $0x1  }
0x8a: {  	s1 =	srdreg.scid  }
0x8b: {  	s0 =	sand.u32 $0x1, s1  }
0x8c: {  	s17 =	sshll.u32 s0, $0xA;
	s2 =	sadd.s32 s3, s2  }
0x8d: {  	s2 =	sadd.s32 s2, s17  }
0x8e: {  	[smem:$0x3FC2] =	sst s2  }
0x8f: {  	_ = 	snop  }
0x90: {  	s2 =	sld [smem:$0x3FD0];
	(tm) =	ssettm $0x1  }
0x91: {  	s18 =	sld [smem:$0x3FFB];
	_ =	sdelay $0x3  }
0x92: {  	_ =	strace s18  }
0x93: {  	s3 =	sld [smem:$0x3FFC];
	_ =	sdelay $0x3  }
0x94: {  	_ =	strace s3  }
0x95: {  	s3 =	sld [smem:$0x3FFD];
	_ =	sdelay $0x3  }
0x96: {  	_ =	strace s3  }
0x97: {  	_ =	strace $0x8FFFFFFF  }
0x98: {  	s19 =	sld [smem:$0x3FDB];
	_ =	sdelay $0x1  }
0x99: {  	s4 =	simm.s32 $_scs_section_size  }
0x9a: {  	s5 =	simm.s32 $_size__tile_overlayer_lowered;
	s6 =	simm.s32 $_tile_overlayer_lowered  }
0x9b: {  	s22 =	simm.s32 $0x1BFF;
	s21 =	sshll.u32 s6, $0x1;
	s3 =	sadd.s32 s4, s19  }
0x9c: {  	s7 =	simm.s32 $0x0;
	s20 =	sshll.u32 s5, $0x1;
	s5 =	sadd.s32 s21, s3  }
0x9d: {  	[timem:s7], [sflag:s22] =	dma.local [hbm:s5], s20  }
0x9e: {  	_ =	swait.ge [sflag:s22], s20  }
0x9f: {  	s4 =	ssub.s32 $0x0, s20;
	[sflag:s22] =	ssyncset.done $0x0  }
0xa0: {  	[sflag:s22] =	ssyncadd.s32 s4;
	_ =	sdelay $0x1  }
0xa1: {  	s23 =	simm.s32 $0x1B8B  }
0xa2: {  	_ =	swait.ge [sflag:s23], $0x1  }
0xa3: {  	[sflag:s23] =	ssyncset.done $0x0  }
0xa4: {  	s25 =	simm.s32 $0x1B8E;
	s24 =	sld [smem:$0x3FFE];
	[sflag:s23] =	ssyncadd.s32 $0xFFFFFFFF  }
0xa5: {  	s26 =	simm.s32 $execute0_lowered;
	[smem:$0x3FD2] =	sst s25  }
0xa6: {  	s5 =	sshll.u32 s26, $0x1;
	_ =	strace $0x80000049;
	[dreg:$0x1] =	wrdreg $0xFFFFFFFF  }
0xa7: {  	s28 =	simm.s32 $_size_execute0_lowered;
	s3 =	sadd.s32 s3, s5;
	[dreg:$0x0] =	wrdreg $0x0  }
0xa8: {  	s5 =	sshll.u32 s28, $0x1;
	[dreg:$0x2] =	wrdreg s3  }
0xa9: {  	[dreg:$0x3] =	wrdreg s5  }
0xaa: {  	[dreg:$0x4] =	wrdreg $0xC0  }
0xab: {  	_ =	task [dreg:s7], $0x5FFFF  }
0xac: {  	[dreg:$0x1] =	wrdreg $0xFFFFFFFF  }
0xad: {  	[dreg:$0x0] =	wrdreg $0x60  }
0xae: {  	[dreg:$0x2] =	wrdreg s24  }
0xaf: {  	[dreg:$0x3] =	wrdreg s2  }
0xb0: {  	[dreg:$0x4] =	wrdreg $0xA8000  }
0xb1: {  	[dreg:$0x5] =	wrdreg $0x9  }
0xb2: {  	_ =	task.clear_ibuf [dreg:s7], $0x6FFFF;
	_ =	strace $0x90000049  }
0xb3: {  	s29 =	simm.s32 $0x9;
	_ =	strace $0x8000004B  }
0xb4: {  	_ =	swait.ge [sflag:s29], $0x1  }
0xb5: {  	[sflag:s29] =	ssyncadd.s32 $0xFFFFFFFF  }
0xb6: {  	_ =	strace $0x9000004B  }
0xb7: {  	_ =	sfence  }
0xb8: {  	s30 =	sld [smem:$0x0];
	_ =	sdelay $0x2  }
0xb9: {  	s31 =	sshll.u32 s1, $0xD;
	s1 =	sshrl.u32 s1, $0x2  }
0xba: {  	s3 =	sand.u32 $0x4000, s31;
	s1 =	sadd.s32 s1, s30  }
0xbb: {  	s0 =	sor.u32 s3, s0;
	s1 =	sshll.u32 s1, $0x11  }
0xbc: {  	s0 =	sor.u32 s1, s0  }
0xbd: {  	s0 =	sadd.s32 $0x8F2B, s0  }
0xbe: {  	[sflag:s0] =	ssyncadd.remote.s32 $0x1  }
0xbf: {  	_ =	sfence.sel $0xFFFF  }
0xc0: {  	[dreg:$0x0] =	wrdreg $0xFFFFFFFF;
	(pc) =	sbr.abs _section_cstart, $3  }
0xc1: {  	[dreg:$0x1] =	wrdreg $0xFFFFFFFF  }
0xc2: {  	_ =	task.clear_ibuf [dreg:s7], $0x2FFFF;
	_ =	strace $0x9FFFFFFF  }
0xc3: {  	(tm) =	ssettm $0x7FFFFFFF  }
tec
execute0_lowered:
.L_overlay_start_1:
0x0: {  	(tag) =	ssettag $0x1  }
0x1: {  	s6 =	rddreg [dreg:$0x0]  }
0x2: {  	s7 =	rddreg [dreg:$0x1]  }
0x3: {  	s0 =	srdreg.scid;
	s2 =	rddreg [dreg:$0x2]  }
0x4: {  	s3 =	simm.s32 $0x0;
	s15 =	simm.s32 $0x2800;
	s16 =	simm.s32 $0x6800  }
0x5: {  	s17 =	simm.s32 $0x1;
	s18 =	simm.s32 $0x2;
	s19 =	simm.s32 $0x1380  }
0x6: {  	s20 =	simm.s32 $0x2700;
	s5 =	sand.u32 $0x1, s0;
	s0 =	stileid.u32  }
0x7: {  	s21 =	simm.s32 $0x2780;
	s24 =	simm.s32 $0x0;
	s9 =	smul.u32 $0x14000, s0  }
0x8: {  	[smem:$0x7FF] =	sst s3;
	s4 =	sadd.s32 $0x85600, s6;
	s10 =	smul.u32 $0x140000, s5  }
0x9: {  	s1 =	sshll.u32 s5, $0x4;
	s5 =	ssub.s32 $0x2, s5;
	s28 =	smul.u32 $0x50000, s0  }
0xa: {  	s31 =	sshll.u32 s0, $0x6;
	s1 =	sor.u32 s0, s1;
	s29 =	sshrl.u32 s5, $0x1  }
0xb: {  	s8 =	smul.u32 $0x500, s1;
	s1 =	rddreg [dreg:$0x3];
	_ =	strace $0x8000004A  }
0xc: {  	s12 =	sshrl.u32 s9, $0x3;
	s9 =	sadd.s32 s9, s10;
	s13 =	ssub.s32 s5, s29  }
0xd: {  	s30 =	sshrl.u32 s28, $0x2;
	s9 =	sshrl.u32 s9, $0x3;
	s12 =	sadd.s32 s12, s6  }
0xe: {  	s14 =	sadd.s32 s30, s2;
	s10 =	smax.u32 s13, $0x1;
	s13 =	simm.s32 $0x1400  }
0xf: {  	s11 =	sadd.s32 s8, s6;
	s9 =	sadd.s32 s9, s6;
	s5 =	sadd.s32 $0xD600, s12  }
0x10: {  	s6 =	sor.u32 $0x1C03, s31;
	s7 =	sadd.s32 s7, s8;
	s12 =	simm.s32 $0x3  }
0x11: {  	s8 =	sadd.s32 $0x2E00, s11;
	s9 =	sadd.s32 $0xAD600, s9;
	s11 =	sshrl.u32 s14, $0x3  }
0x12: {  	s14 =	simm.s32 $0x80;
	s22 =	sadd.s32 $0x280, s7;
	s23 =	sadd.s32 $0x280, s8  }
.LBB2_1:
0x13: {  	[spmem:s11], [sflag:s6] =	dma.local [hbm:s5], $0x2800  }
0x14: {  	_ =	swait.ge [sflag:s12], $0x2800  }
0x15: {  	[sflag:s12] =	ssyncset.done $0x0  }
0x16: {  	[sflag:s12] =	ssyncadd.s32 $0xFFFFD800  }
0x17: {  	[bflag:$0x0] =	sbarrier.arrive $0xFFFF  }
0x18: {  	[tilespmem:s3], [sflag:$0x3] =	stream.linear.gather [hbm4b:s7+s3], $0x1400, $0x38;
	[tilespmem:$0x1E800] =	vst v63  }
0x19: {  	_ =	swait.ge [sflag:s12], $0x1400  }
0x1a: {  	[sflag:s12] =	ssyncset.done $0x0  }
0x1b: {  	[sflag:s12] =	ssyncadd.s32 $0xFFFFEC00  }
0x1c: {  	[tilespmem:s13], [sflag:$0x3] =	stream.linear.gather [hbm4b:s8+s3], $0x1400, $0x38;
	[tilespmem:$0x1E800] =	vst v63  }
0x1d: {  	_ =	swait.ge [sflag:s12], $0x1400  }
0x1e: {  	[sflag:s12] =	ssyncset.done $0x0  }
0x1f: {  	[sflag:s12] =	ssyncadd.s32 $0xFFFFEC00  }
0x20: {  	[tilespmem:s15], [sflag:$0x1] =	stream.indirect.gather [hbm4b:s4+s14], $0x80, s3, s14, $0xb8;
	[tilespmem:$0x1E800] =	vst v63  }
0x21: {  	s25 =	simm.s32 $0x80  }
0x22: {  	[tilespmem:s16], [sflag:$0x2] =	stream.indirect.gather [hbm4b:s4+s14], $0x80, s25, s14, $0xb8;
	[tilespmem:$0x1E800] =	vst v63  }
0x23: {  	_ =	swait.ge [sflag:s17], $0x4000  }
0x24: {  	[sflag:s17] =	ssyncset.done $0x0  }
0x25: {  	s29 =	simm.s32 $0x1400;
	[sflag:s17] =	ssyncadd.s32 $0xFFFFC000  }
0x26: {  	[spmem:s2] =	stream.indirect.scatter.add.f32 [tilespmem:s15], [sflag:$0x3], $0x80, s29, s14, $0xb8;
	[tilespmem:$0x1E800] =	vst v63  }
0x27: {  	_ =	swait.ge [sflag:s12], $0x4000  }
0x28: {  	[sflag:s12] =	ssyncset.done $0x0  }
0x29: {  	s30 =	simm.s32 $0x100;
	[sflag:s12] =	ssyncadd.s32 $0xFFFFC000  }
0x2a: {  	[tilespmem:s15], [sflag:$0x1] =	stream.indirect.gather [hbm4b:s4+s14], $0x80, s30, s14, $0xb8;
	[tilespmem:$0x1E800] =	vst v63  }
0x2b: {  	_ =	swait.ge [sflag:s18], $0x4000  }
0x2c: {  	[sflag:s18] =	ssyncset.done $0x0  }
0x2d: {  	s31 =	simm.s32 $0x1480;
	[sflag:s18] =	ssyncadd.s32 $0xFFFFC000  }
0x2e: {  	[spmem:s2] =	stream.indirect.scatter.add.f32 [tilespmem:s16], [sflag:$0x3], $0x80, s31, s14, $0xb8;
	[tilespmem:$0x1E800] =	vst v63  }
0x2f: {  	_ =	swait.ge [sflag:s12], $0x4000  }
0x30: {  	s26 =	simm.s32 $0x800;
	s25 =	simm.s32 $0x100;
	[sflag:s12] =	ssyncset.done $0x0  }
.LBB2_2:
0x31: {  	s28 =	sadd.s32 $0x80, s25  }
0x32: {  	[sflag:s12] =	ssyncadd.s32 $0xFFFFC000;
	s29 =	smov.u32 s26;
	s30 =	sadd.s32 $0x400, s26  }
0x33: {  	[tilespmem:s16], [sflag:$0x2] =	stream.indirect.gather [hbm4b:s4+s14], $0x80, s28, s14, $0xb8;
	[tilespmem:$0x1E800] =	vst v63  }
0x34: {  	p0 =	sne.s32 s26, $0x4800;
	_ =	swait.ge [sflag:s17], $0x4000  }
0x35: {  	[sflag:s17] =	ssyncset.done $0x0  }
0x36: {  	s26 =	sadd.s32 $0x1400, s25;
	[sflag:s17] =	ssyncadd.s32 $0xFFFFC000  }
0x37: {  	[spmem:s2] =	stream.indirect.scatter.add.f32 [tilespmem:s15], [sflag:$0x3], $0x80, s26, s14, $0xb8;
	[tilespmem:$0x1E800] =	vst v63  }
0x38: {  	_ =	swait.ge [sflag:s12], $0x4000  }
0x39: {  	[sflag:s12] =	ssyncset.done $0x0  }
0x3a: {  	s26 =	sadd.s32 $0x100, s25;
	[sflag:s12] =	ssyncadd.s32 $0xFFFFC000  }
0x3b: {  	[tilespmem:s15], [sflag:$0x1] =	stream.indirect.gather [hbm4b:s4+s14], $0x80, s26, s14, $0xb8;
	[tilespmem:$0x1E800] =	vst v63  }
0x3c: {  	_ =	swait.ge [sflag:s18], $0x4000  }
.Ltmp0:
0x3d: {  	[sflag:s18] =	ssyncset.done $0x0;
	(pc) =	sbr.rel @p0 .LBB2_2-.Ltmp0, $4  }
0x3e: {  	s25 =	sadd.s32 $0x1480, s25;
	[sflag:s18] =	ssyncadd.s32 $0xFFFFC000  }
0x3f: {  	[spmem:s2] =	stream.indirect.scatter.add.f32 [tilespmem:s16], [sflag:$0x3], $0x80, s25, s14, $0xb8;
	[tilespmem:$0x1E800] =	vst v63  }
0x40: {  	_ =	swait.ge [sflag:s12], $0x4000  }
0x41: {  	s26 =	smov.u32 s30;
	s25 =	sshra.s32 s29, $0x2;
	[sflag:s12] =	ssyncset.done $0x0  }
0x42: {  	s26 =	sadd.s32 $0x80, s25;
	[sflag:s12] =	ssyncadd.s32 $0xFFFFC000  }
0x43: {  	[tilespmem:s16], [sflag:$0x2] =	stream.indirect.gather [hbm4b:s4+s14], $0x80, s26, s14, $0xb8;
	[tilespmem:$0x1E800] =	vst v63  }
0x44: {  	_ =	swait.ge [sflag:s17], $0x4000  }
0x45: {  	[sflag:s17] =	ssyncset.done $0x0  }
0x46: {  	s29 =	sadd.s32 $0x1400, s25;
	[sflag:s17] =	ssyncadd.s32 $0xFFFFC000  }
0x47: {  	[spmem:s2] =	stream.indirect.scatter.add.f32 [tilespmem:s15], [sflag:$0x3], $0x80, s29, s14, $0xb8;
	[tilespmem:$0x1E800] =	vst v63  }
0x48: {  	_ =	swait.ge [sflag:s12], $0x4000  }
0x49: {  	[sflag:s12] =	ssyncset.done $0x0  }
0x4a: {  	s30 =	sadd.s32 $0x100, s25;
	[sflag:s12] =	ssyncadd.s32 $0xFFFFC000  }
0x4b: {  	[tilespmem:s15], [sflag:$0x1] =	stream.indirect.gather [hbm4b:s4+s14], $0x80, s30, s14, $0xb8;
	[tilespmem:$0x1E800] =	vst v63  }
0x4c: {  	_ =	swait.ge [sflag:s18], $0x4000  }
0x4d: {  	[sflag:s18] =	ssyncset.done $0x0  }
0x4e: {  	s31 =	sadd.s32 $0x1480, s25;
	[sflag:s18] =	ssyncadd.s32 $0xFFFFC000  }
0x4f: {  	[spmem:s2] =	stream.indirect.scatter.add.f32 [tilespmem:s16], [sflag:$0x3], $0x80, s31, s14, $0xb8;
	[tilespmem:$0x1E800] =	vst v63  }
0x50: {  	_ =	swait.ge [sflag:s12], $0x4000  }
0x51: {  	[sflag:s12] =	ssyncset.done $0x0  }
0x52: {  	[sflag:s12] =	ssyncadd.s32 $0xFFFFC000  }
0x53: {  	[tilespmem:s16], [sflag:$0x2] =	stream.indirect.gather [hbm4b:s4+s14], $0x80, s19, s14, $0xb8;
	[tilespmem:$0x1E800] =	vst v63  }
0x54: {  	_ =	swait.ge [sflag:s17], $0x4000  }
0x55: {  	[sflag:s17] =	ssyncset.done $0x0  }
0x56: {  	[sflag:s17] =	ssyncadd.s32 $0xFFFFC000  }
0x57: {  	[spmem:s2] =	stream.indirect.scatter.add.f32 [tilespmem:s15], [sflag:$0x3], $0x80, s20, s14, $0xb8;
	[tilespmem:$0x1E800] =	vst v63  }
0x58: {  	_ =	swait.ge [sflag:s12], $0x4000  }
0x59: {  	[sflag:s12] =	ssyncset.done $0x0  }
0x5a: {  	[sflag:s12] =	ssyncadd.s32 $0xFFFFC000  }
0x5b: {  	_ =	swait.ge [sflag:s18], $0x4000  }
0x5c: {  	[sflag:s18] =	ssyncset.done $0x0  }
0x5d: {  	[sflag:s18] =	ssyncadd.s32 $0xFFFFC000  }
0x5e: {  	[spmem:s2] =	stream.indirect.scatter.add.f32 [tilespmem:s16], [sflag:$0x3], $0x80, s21, s14, $0xb8;
	[tilespmem:$0x1E800] =	vst v63  }
0x5f: {  	_ =	swait.ge [sflag:s12], $0x4000  }
0x60: {  	[sflag:s12] =	ssyncset.done $0x0  }
0x61: {  	s26 =	simm.s32 $0x0;
	[sflag:s12] =	ssyncadd.s32 $0xFFFFC000  }
0x62: {  	[tilespmem:s26], [sflag:$0x3] =	stream.linear.gather [hbm4b:s22+s26], $0x1400, $0x38;
	[tilespmem:$0x1E800] =	vst v63  }
0x63: {  	_ =	swait.ge [sflag:s12], $0x1400  }
0x64: {  	[sflag:s12] =	ssyncset.done $0x0  }
0x65: {  	[sflag:s12] =	ssyncadd.s32 $0xFFFFEC00  }
0x66: {  	[tilespmem:s13], [sflag:$0x3] =	stream.linear.gather [hbm4b:s23+s26], $0x1400, $0x38;
	[tilespmem:$0x1E800] =	vst v63  }
0x67: {  	_ =	swait.ge [sflag:s12], $0x1400  }
0x68: {  	[sflag:s12] =	ssyncset.done $0x0  }
0x69: {  	[sflag:s12] =	ssyncadd.s32 $0xFFFFEC00  }
0x6a: {  	[tilespmem:s15], [sflag:$0x1] =	stream.indirect.gather [hbm4b:s4+s14], $0x80, s26, s14, $0xb8;
	[tilespmem:$0x1E800] =	vst v63  }
0x6b: {  	s28 =	simm.s32 $0x80  }
0x6c: {  	[tilespmem:s16], [sflag:$0x2] =	stream.indirect.gather [hbm4b:s4+s14], $0x80, s28, s14, $0xb8;
	[tilespmem:$0x1E800] =	vst v63  }
0x6d: {  	_ =	swait.ge [sflag:s17], $0x4000  }
0x6e: {  	[sflag:s17] =	ssyncset.done $0x0  }
0x6f: {  	s29 =	simm.s32 $0x1400;
	[sflag:s17] =	ssyncadd.s32 $0xFFFFC000  }
0x70: {  	[spmem:s2] =	stream.indirect.scatter.add.f32 [tilespmem:s15], [sflag:$0x3], $0x80, s29, s14, $0xb8;
	[tilespmem:$0x1E800] =	vst v63  }
0x71: {  	_ =	swait.ge [sflag:s12], $0x4000  }
0x72: {  	[sflag:s12] =	ssyncset.done $0x0  }
0x73: {  	s30 =	simm.s32 $0x100;
	[sflag:s12] =	ssyncadd.s32 $0xFFFFC000  }
0x74: {  	[tilespmem:s15], [sflag:$0x1] =	stream.indirect.gather [hbm4b:s4+s14], $0x80, s30, s14, $0xb8;
	[tilespmem:$0x1E800] =	vst v63  }
0x75: {  	_ =	swait.ge [sflag:s18], $0x4000  }
0x76: {  	[sflag:s18] =	ssyncset.done $0x0  }
0x77: {  	s31 =	simm.s32 $0x1480;
	[sflag:s18] =	ssyncadd.s32 $0xFFFFC000  }
0x78: {  	[spmem:s2] =	stream.indirect.scatter.add.f32 [tilespmem:s16], [sflag:$0x3], $0x80, s31, s14, $0xb8;
	[tilespmem:$0x1E800] =	vst v63  }
0x79: {  	_ =	swait.ge [sflag:s12], $0x4000  }
0x7a: {  	s25 =	simm.s32 $0x100;
	s26 =	simm.s32 $0x800;
	[sflag:s12] =	ssyncset.done $0x0  }
.LBB2_4:
0x7b: {  	s28 =	sadd.s32 $0x80, s25  }
0x7c: {  	[sflag:s12] =	ssyncadd.s32 $0xFFFFC000;
	s29 =	smov.u32 s26;
	s30 =	sadd.s32 $0x400, s26  }
0x7d: {  	[tilespmem:s16], [sflag:$0x2] =	stream.indirect.gather [hbm4b:s4+s14], $0x80, s28, s14, $0xb8;
	[tilespmem:$0x1E800] =	vst v63  }
0x7e: {  	p0 =	sne.s32 s26, $0x4800;
	_ =	swait.ge [sflag:s17], $0x4000  }
0x7f: {  	[sflag:s17] =	ssyncset.done $0x0  }
0x80: {  	s26 =	sadd.s32 $0x1400, s25;
	[sflag:s17] =	ssyncadd.s32 $0xFFFFC000  }
0x81: {  	[spmem:s2] =	stream.indirect.scatter.add.f32 [tilespmem:s15], [sflag:$0x3], $0x80, s26, s14, $0xb8;
	[tilespmem:$0x1E800] =	vst v63  }
0x82: {  	_ =	swait.ge [sflag:s12], $0x4000  }
0x83: {  	[sflag:s12] =	ssyncset.done $0x0  }
0x84: {  	s26 =	sadd.s32 $0x100, s25;
	[sflag:s12] =	ssyncadd.s32 $0xFFFFC000  }
0x85: {  	[tilespmem:s15], [sflag:$0x1] =	stream.indirect.gather [hbm4b:s4+s14], $0x80, s26, s14, $0xb8;
	[tilespmem:$0x1E800] =	vst v63  }
0x86: {  	_ =	swait.ge [sflag:s18], $0x4000  }
.Ltmp1:
0x87: {  	[sflag:s18] =	ssyncset.done $0x0;
	(pc) =	sbr.rel @p0 .LBB2_4-.Ltmp1, $4  }
0x88: {  	s25 =	sadd.s32 $0x1480, s25;
	[sflag:s18] =	ssyncadd.s32 $0xFFFFC000  }
0x89: {  	[spmem:s2] =	stream.indirect.scatter.add.f32 [tilespmem:s16], [sflag:$0x3], $0x80, s25, s14, $0xb8;
	[tilespmem:$0x1E800] =	vst v63  }
0x8a: {  	_ =	swait.ge [sflag:s12], $0x4000  }
0x8b: {  	s26 =	smov.u32 s30;
	s25 =	sshra.s32 s29, $0x2;
	[sflag:s12] =	ssyncset.done $0x0  }
0x8c: {  	s26 =	sadd.s32 $0x80, s25;
	[sflag:s12] =	ssyncadd.s32 $0xFFFFC000  }
0x8d: {  	[tilespmem:s16], [sflag:$0x2] =	stream.indirect.gather [hbm4b:s4+s14], $0x80, s26, s14, $0xb8;
	[tilespmem:$0x1E800] =	vst v63  }
0x8e: {  	_ =	swait.ge [sflag:s17], $0x4000  }
0x8f: {  	[sflag:s17] =	ssyncset.done $0x0  }
0x90: {  	s29 =	sadd.s32 $0x1400, s25;
	[sflag:s17] =	ssyncadd.s32 $0xFFFFC000  }
0x91: {  	[spmem:s2] =	stream.indirect.scatter.add.f32 [tilespmem:s15], [sflag:$0x3], $0x80, s29, s14, $0xb8;
	[tilespmem:$0x1E800] =	vst v63  }
0x92: {  	_ =	swait.ge [sflag:s12], $0x4000  }
0x93: {  	[sflag:s12] =	ssyncset.done $0x0  }
0x94: {  	s30 =	sadd.s32 $0x100, s25;
	[sflag:s12] =	ssyncadd.s32 $0xFFFFC000  }
0x95: {  	[tilespmem:s15], [sflag:$0x1] =	stream.indirect.gather [hbm4b:s4+s14], $0x80, s30, s14, $0xb8;
	[tilespmem:$0x1E800] =	vst v63  }
0x96: {  	_ =	swait.ge [sflag:s18], $0x4000  }
0x97: {  	[sflag:s18] =	ssyncset.done $0x0  }
0x98: {  	s31 =	sadd.s32 $0x1480, s25;
	[sflag:s18] =	ssyncadd.s32 $0xFFFFC000  }
0x99: {  	[spmem:s2] =	stream.indirect.scatter.add.f32 [tilespmem:s16], [sflag:$0x3], $0x80, s31, s14, $0xb8;
	[tilespmem:$0x1E800] =	vst v63  }
0x9a: {  	_ =	swait.ge [sflag:s12], $0x4000  }
0x9b: {  	[sflag:s12] =	ssyncset.done $0x0  }
0x9c: {  	[sflag:s12] =	ssyncadd.s32 $0xFFFFC000  }
0x9d: {  	[tilespmem:s16], [sflag:$0x2] =	stream.indirect.gather [hbm4b:s4+s14], $0x80, s19, s14, $0xb8;
	[tilespmem:$0x1E800] =	vst v63  }
0x9e: {  	_ =	swait.ge [sflag:s17], $0x4000  }
0x9f: {  	[sflag:s17] =	ssyncset.done $0x0  }
0xa0: {  	[sflag:s17] =	ssyncadd.s32 $0xFFFFC000  }
0xa1: {  	[spmem:s2] =	stream.indirect.scatter.add.f32 [tilespmem:s15], [sflag:$0x3], $0x80, s20, s14, $0xb8;
	[tilespmem:$0x1E800] =	vst v63  }
0xa2: {  	_ =	swait.ge [sflag:s12], $0x4000  }
0xa3: {  	[sflag:s12] =	ssyncset.done $0x0  }
0xa4: {  	[sflag:s12] =	ssyncadd.s32 $0xFFFFC000  }
0xa5: {  	_ =	swait.ge [sflag:s18], $0x4000  }
0xa6: {  	[sflag:s18] =	ssyncset.done $0x0  }
0xa7: {  	[sflag:s18] =	ssyncadd.s32 $0xFFFFC000  }
0xa8: {  	[spmem:s2] =	stream.indirect.scatter.add.f32 [tilespmem:s16], [sflag:$0x3], $0x80, s21, s14, $0xb8;
	[tilespmem:$0x1E800] =	vst v63  }
0xa9: {  	_ =	swait.ge [sflag:s12], $0x4000  }
0xaa: {  	s24 =	sadd.s32 $0x1, s24;
	[sflag:s12] =	ssyncset.done $0x0  }
0xab: {  	p0 =	sne.s32 s24, s10;
	[sflag:s12] =	ssyncadd.s32 $0xFFFFC000  }
.Ltmp2:
0xac: {  	[bflag:$0x0] =	sbarrier.arrive $0xFFFF;
	(pc) =	sbr.rel @p0 .LBB2_1-.Ltmp2, $4  }
0xad: {  	[hbm:s9], [sflag:s6] =	dma.local [spmem:s11], $0x2800  }
0xae: {  	_ =	swait.ge [sflag:s12], $0x2800  }
0xaf: {  	[sflag:s12] =	ssyncset.done $0x0  }
0xb0: {  	[sflag:s12] =	ssyncadd.s32 $0xFFFFD800  }
0xb1: {  	_ =	sfence.sel $0x180000  }
0xb2: {  	[bflag:$0x0] =	sbarrier.arrive $0xFFFF  }
0xb3: {  	p0 =	sne.s32 s0, $0x0;
	_ =	strace $0x9000004A  }
0xb4: {  	s0 =	sadd.s32 @!p0 $0x100000, s1;
	[bflag:$0x2] =	sbarrier.arrive $0xFFFF  }
0xb5: {  	[sflag:s0] =	ssyncadd.tile.s32 @!p0 $0x1;
	_ =	shalt  }
.Lfunc_end2:
_tile_overlayer_lowered:
.L_overlay_start_2:
0xb6: {  	(tag) =	ssettag $0x2  }
0xb7: {  	s0 =	rddreg [dreg:$0x0];
	s2 =	stileid.u32  }
0xb8: {  	s1 =	rddreg [dreg:$0x1];
	p0 =	sne.s32 s2, $0x0  }
0xb9: {  	s3 =	rddreg [dreg:$0x2];
	[bflag:$0x3] =	sbarrier.arrive $0xFFFF;
	s2 =	simm.s32 @!p0 $0x1C03  }
0xba: {  	[timem:s3], [sflag:s2] =	dma.local @!p0 [hbm:s0], s1  }
0xbb: {  	s0 =	simm.s32 @!p0 $0x3  }
0xbc: {  	_ =	swait.ge @!p0 [sflag:s0], s1  }
0xbd: {  	s1 =	ssub.s32 @!p0 $0x0, s1;
	[sflag:s0] =	ssyncset.done @!p0 $0x0  }
0xbe: {  	[sflag:s0] =	ssyncadd.s32 @!p0 s1  }
0xbf: {  	[bflag:$0x3] =	sbarrier.arrive $0xFFFF  }
0xc0: {  	_ =	shalt  }

// kernel: kernel.14.cloned.1.call-start
scs
__scs_entry_jumppad:
0x0: {  	(pc) =	sbr.rel $0x88, $3  }
0x1: {  	(tag) =	ssettag $0x0;
	lr =	simm.s32 $0x1  }
0x2: {  	[smem:$0x3F9B] =	sst lr;
	_ =	strace $0xD0000000  }
0x3: {  	_ = 	snop  }
0x4: {  	_ = 	snop  }
0x5: {  	_ = 	snop  }
0x6: {  	_ = 	snop  }
0x7: {  	_ = 	snop  }
__scs_overlays_trampoline_lowered:
0x8: {  	[smem:$0x3FAA] =	sst s0  }
0x9: {  	[smem:$0x3FAB] =	sst s1  }
0xa: {  	[smem:$0x3FAC] =	sst s2  }
0xb: {  	[smem:$0x3FAD] =	sst s3  }
0xc: {  	[smem:$0x3FAE] =	sst s4  }
0xd: {  	[smem:$0x3FAF] =	sst s5  }
0xe: {  	[smem:$0x3FB0] =	sst s6  }
0xf: {  	[smem:$0x3FB1] =	sst s7  }
0x10: {  	[smem:$0x3FB2] =	sst s8  }
0x11: {  	[smem:$0x3FB3] =	sst s9;
	s0 =	simm.s32 @!p0 $0x0  }
0x12: {  	s1 =	sld [smem:$0x3F99];
	s0 =	simm.s32 @p0 $0x1  }
0x13: {  	[smem:$0x3FB4] =	sst s0;
	s0 =	simm.s32 @!p1 $0x0  }
0x14: {  	s2 =	sld [smem:$0x3F98];
	s0 =	simm.s32 @p1 $0x1  }
0x15: {  	[smem:$0x3FB5] =	sst s0;
	s0 =	simm.s32 @!p2 $0x0  }
0x16: {  	s3 =	sld [smem:$0x3FDB];
	s0 =	simm.s32 @p2 $0x1  }
0x17: {  	s4 =	simm.s32 $0x1BF5;
	[smem:$0x3FB7] =	sst s0  }
0x18: {  	s0 =	sld [smem:$0x3F9A];
	_ =	swait.ge [sflag:s4], $0x0  }
0x19: {  	s7 =	sld [smem:$0x3F9B]  }
0x1a: {  	s8 =	sadd.s32 $0xFFFFE003, lr  }
0x1b: {  	s9 =	sadd.s32 $0xFFFFFEF7, lr;
	s5 =	simm.s32 $0xFFFFFFFF;
	p2 =	slt.u32 s8, $0xFFFFF086  }
0x1c: {  	p1 =	slt.u32 s9, $0xF7A;
	s5 =	simm.s32 @!p2 $0x0  }
0x1d: {  	s5 =	simm.s32 @p1 $0x1;
	p0 =	seq.s32 s7, s2  }
0x1e: {  	s7 =	smul.u32 @!p0 $0xF7A, s2;
	p2 =	seq.s32 @!p0 s5, $0x0  }
0x1f: {  	s9 =	smul.u32 $0xF7A, s1;
	s8 =	simm.s32 @!p0 $0x1BF5;
	p2 =	por !p2, p0  }
0x20: {  	[sflag:s8] =	ssyncset.s32 @!p0 $0xFFFFF086;
	s6 =	sadd.s32 @!p0 s3, s7;
	s7 =	simm.s32 @!p0 $0x108  }
0x21: {  	s3 =	sadd.s32 s3, s9;
	s6 =	sadd.s32 @!p0 $0x88, s6;
	s7 =	simm.s32 @p2 $0x1082  }
0x22: {  	[simem:s7], [sflag:s8] =	dma.local @!p0 [hbm:s6], $0xF7A  }
0x23: {  	s9 =	sor.u32 $0xD0000000, s2;
	s6 =	simm.s32 $0x108;
	_ =	swait.ge @!p0 [sflag:s8], $0x0  }
0x24: {  	s3 =	sadd.s32 $0x88, s3;
	s6 =	simm.s32 @!p1 $0x1082;
	[sflag:s4] =	ssyncset.s32 $0xFFFFF086  }
0x25: {  	[simem:s6], [sflag:s4] =	dma.local [hbm:s3], $0xF7A  }
0x26: {  	[smem:$0x3F9B] =	sst s1;
	(tag) =	ssettag s2;
	_ =	strace s9  }
0x27: {  	s1 =	sld [smem:$0x3FAB]  }
0x28: {  	s2 =	sld [smem:$0x3FAC]  }
0x29: {  	s4 =	sld [smem:$0x3FAE]  }
0x2a: {  	p0 =	seq.s32 s5, $0x0;
	s5 =	sld [smem:$0x3FAF]  }
0x2b: {  	s6 =	sld [smem:$0x3FB0]  }
0x2c: {  	s7 =	sld [smem:$0x3FB1]  }
0x2d: {  	s3 =	simm.s32 $0x108;
	s8 =	sld [smem:$0x3FB2]  }
0x2e: {  	s3 =	simm.s32 @!p0 $0x1082;
	s9 =	sld [smem:$0x3FB3]  }
0x2f: {  	lr =	sadd.s32 s0, s3;
	s0 =	sld [smem:$0x3FAA]  }
0x30: {  	s3 =	sld [smem:$0x3FAD]  }
0x31: {  	[smem:$0x3FB6] =	sst s10  }
0x32: {  	s10 =	sld [smem:$0x3FB4];
	_ =	sdelay $0x3  }
0x33: {  	p0 =	seq.s32 s10, $0x1;
	s10 =	sld [smem:$0x3FB6];
	_ =	sdelay $0x3  }
0x34: {  	[smem:$0x3FB6] =	sst s10  }
0x35: {  	s10 =	sld [smem:$0x3FB5];
	_ =	sdelay $0x3  }
0x36: {  	p1 =	seq.s32 s10, $0x1;
	s10 =	sld [smem:$0x3FB6];
	_ =	sdelay $0x3  }
0x37: {  	[smem:$0x3FB6] =	sst s10  }
0x38: {  	s10 =	sld [smem:$0x3FB7]  }
0x39: {  	_ = 	snop;
	(pc) =	sbr.ind lr, $3  }
0x3a: {  	_ = 	snop  }
0x3b: {  	_ = 	snop  }
0x3c: {  	p2 =	seq.s32 s10, $0x1;
	s10 =	sld [smem:$0x3FB6]  }
0x3d: {  	_ =	shalt  }
0x3e: {  	_ =	shalt  }
0x3f: {  	_ =	shalt  }
0x40: {  	_ =	shalt  }
0x41: {  	_ =	shalt  }
0x42: {  	_ =	shalt  }
0x43: {  	_ =	shalt  }
0x44: {  	_ =	shalt  }
0x45: {  	_ =	shalt  }
0x46: {  	_ =	shalt  }
0x47: {  	_ =	shalt  }
0x48: {  	_ =	shalt  }
0x49: {  	_ =	shalt  }
0x4a: {  	_ =	shalt  }
0x4b: {  	_ =	shalt  }
0x4c: {  	_ =	shalt  }
0x4d: {  	_ =	shalt  }
0x4e: {  	_ =	shalt  }
0x4f: {  	_ =	shalt  }
0x50: {  	_ =	shalt  }
0x51: {  	_ =	shalt  }
0x52: {  	_ =	shalt  }
0x53: {  	_ =	shalt  }
0x54: {  	_ =	shalt  }
0x55: {  	_ =	shalt  }
0x56: {  	_ =	shalt  }
0x57: {  	_ =	shalt  }
0x58: {  	_ =	shalt  }
0x59: {  	_ =	shalt  }
0x5a: {  	_ =	shalt  }
0x5b: {  	_ =	shalt  }
0x5c: {  	_ =	shalt  }
0x5d: {  	_ =	shalt  }
0x5e: {  	_ =	shalt  }
0x5f: {  	_ =	shalt  }
0x60: {  	_ =	shalt  }
0x61: {  	_ =	shalt  }
0x62: {  	_ =	shalt  }
0x63: {  	_ =	shalt  }
0x64: {  	_ =	shalt  }
0x65: {  	_ =	shalt  }
0x66: {  	_ =	shalt  }
0x67: {  	_ =	shalt  }
0x68: {  	_ =	shalt  }
0x69: {  	_ =	shalt  }
0x6a: {  	_ =	shalt  }
0x6b: {  	_ =	shalt  }
0x6c: {  	_ =	shalt  }
0x6d: {  	_ =	shalt  }
0x6e: {  	_ =	shalt  }
0x6f: {  	_ =	shalt  }
0x70: {  	_ =	shalt  }
0x71: {  	_ =	shalt  }
0x72: {  	_ =	shalt  }
0x73: {  	_ =	shalt  }
0x74: {  	_ =	shalt  }
0x75: {  	_ =	shalt  }
0x76: {  	_ =	shalt  }
0x77: {  	_ =	shalt  }
0x78: {  	_ =	shalt  }
0x79: {  	_ =	shalt  }
0x7a: {  	_ =	shalt  }
0x7b: {  	_ =	shalt  }
0x7c: {  	_ =	shalt  }
0x7d: {  	_ =	shalt  }
0x7e: {  	_ =	shalt  }
0x7f: {  	_ =	shalt  }
0x80: {  	_ =	shalt  }
0x81: {  	_ =	shalt  }
0x82: {  	_ =	shalt  }
0x83: {  	_ =	shalt  }
0x84: {  	_ =	shalt  }
0x85: {  	_ =	shalt  }
0x86: {  	_ =	shalt  }
0x87: {  	_ =	shalt  }
.Lfunc_end0:
.L_simem_size_0:
called_computation.2_lowered:
.L_overlay_start_0:
0x88: {  	s2 =	sld [smem:$0x3FD9]  }
0x89: {  	s3 =	sld [smem:$0x3FFE];
	_ =	sdelay $0x1  }
0x8a: {  	s1 =	srdreg.scid  }
0x8b: {  	s0 =	sand.u32 $0x1, s1  }
0x8c: {  	s17 =	sshll.u32 s0, $0xA;
	s2 =	sadd.s32 s3, s2  }
0x8d: {  	s2 =	sadd.s32 s2, s17  }
0x8e: {  	[smem:$0x3FC2] =	sst s2  }
0x8f: {  	_ = 	snop  }
0x90: {  	s2 =	sld [smem:$0x3FD0];
	(tm) =	ssettm $0x1  }
0x91: {  	s18 =	sld [smem:$0x3FFB];
	_ =	sdelay $0x3  }
0x92: {  	_ =	strace s18  }
0x93: {  	s3 =	sld [smem:$0x3FFC];
	_ =	sdelay $0x3  }
0x94: {  	_ =	strace s3  }
0x95: {  	s3 =	sld [smem:$0x3FFD];
	_ =	sdelay $0x3  }
0x96: {  	_ =	strace s3  }
0x97: {  	_ =	strace $0x8FFFFFFF  }
0x98: {  	s19 =	sld [smem:$0x3FDB];
	_ =	sdelay $0x1  }
0x99: {  	s4 =	simm.s32 $_scs_section_size  }
0x9a: {  	s5 =	simm.s32 $_size__tile_overlayer_lowered;
	s6 =	simm.s32 $_tile_overlayer_lowered  }
0x9b: {  	s22 =	simm.s32 $0x1BFF;
	s21 =	sshll.u32 s6, $0x1;
	s3 =	sadd.s32 s4, s19  }
0x9c: {  	s7 =	simm.s32 $0x0;
	s20 =	sshll.u32 s5, $0x1;
	s5 =	sadd.s32 s21, s3  }
0x9d: {  	[timem:s7], [sflag:s22] =	dma.local [hbm:s5], s20  }
0x9e: {  	_ =	swait.ge [sflag:s22], s20  }
0x9f: {  	s4 =	ssub.s32 $0x0, s20;
	[sflag:s22] =	ssyncset.done $0x0  }
0xa0: {  	[sflag:s22] =	ssyncadd.s32 s4;
	_ =	sdelay $0x1  }
0xa1: {  	s23 =	simm.s32 $0x1B8B  }
0xa2: {  	_ =	swait.ge [sflag:s23], $0x1  }
0xa3: {  	[sflag:s23] =	ssyncset.done $0x0  }
0xa4: {  	s25 =	simm.s32 $0x1B8E;
	s24 =	sld [smem:$0x3FFE];
	[sflag:s23] =	ssyncadd.s32 $0xFFFFFFFF  }
0xa5: {  	s26 =	simm.s32 $execute0_lowered;
	[smem:$0x3FD2] =	sst s25  }
0xa6: {  	s5 =	sshll.u32 s26, $0x1;
	_ =	strace $0x8000004C;
	[dreg:$0x1] =	wrdreg $0xFFFFFFFF  }
0xa7: {  	s28 =	simm.s32 $_size_execute0_lowered;
	s3 =	sadd.s32 s3, s5;
	[dreg:$0x0] =	wrdreg $0x0  }
0xa8: {  	s5 =	sshll.u32 s28, $0x1;
	[dreg:$0x2] =	wrdreg s3  }
0xa9: {  	[dreg:$0x3] =	wrdreg s5  }
0xaa: {  	[dreg:$0x4] =	wrdreg $0xC0  }
0xab: {  	_ =	task [dreg:s7], $0x5FFFF  }
0xac: {  	[dreg:$0x1] =	wrdreg $0xFFFFFFFF  }
0xad: {  	[dreg:$0x0] =	wrdreg $0x60  }
0xae: {  	[dreg:$0x2] =	wrdreg s24  }
0xaf: {  	[dreg:$0x3] =	wrdreg s2  }
0xb0: {  	[dreg:$0x4] =	wrdreg $0xA8000  }
0xb1: {  	[dreg:$0x5] =	wrdreg $0x9  }
0xb2: {  	_ =	task.clear_ibuf [dreg:s7], $0x6FFFF;
	_ =	strace $0x9000004C  }
0xb3: {  	s29 =	simm.s32 $0x9;
	_ =	strace $0x8000004E  }
0xb4: {  	_ =	swait.ge [sflag:s29], $0x1  }
0xb5: {  	[sflag:s29] =	ssyncadd.s32 $0xFFFFFFFF  }
0xb6: {  	_ =	strace $0x9000004E  }
0xb7: {  	_ =	sfence  }
0xb8: {  	s30 =	sld [smem:$0x0];
	_ =	sdelay $0x2  }
0xb9: {  	s31 =	sshll.u32 s1, $0xD;
	s1 =	sshrl.u32 s1, $0x2  }
0xba: {  	s3 =	sand.u32 $0x4000, s31;
	s1 =	sadd.s32 s1, s30  }
0xbb: {  	s0 =	sor.u32 s3, s0;
	s1 =	sshll.u32 s1, $0x11  }
0xbc: {  	s0 =	sor.u32 s1, s0  }
0xbd: {  	s0 =	sadd.s32 $0x8F2B, s0  }
0xbe: {  	[sflag:s0] =	ssyncadd.remote.s32 $0x1  }
0xbf: {  	_ =	sfence.sel $0xFFFF  }
0xc0: {  	[dreg:$0x0] =	wrdreg $0xFFFFFFFF;
	(pc) =	sbr.abs _section_cstart, $3  }
0xc1: {  	[dreg:$0x1] =	wrdreg $0xFFFFFFFF  }
0xc2: {  	_ =	task.clear_ibuf [dreg:s7], $0x2FFFF;
	_ =	strace $0x9FFFFFFF  }
0xc3: {  	(tm) =	ssettm $0x7FFFFFFF  }
tec
execute0_lowered:
.L_overlay_start_1:
0x0: {  	(tag) =	ssettag $0x1  }
0x1: {  	s6 =	rddreg [dreg:$0x0]  }
0x2: {  	s7 =	rddreg [dreg:$0x1]  }
0x3: {  	s0 =	srdreg.scid;
	s2 =	rddreg [dreg:$0x2]  }
0x4: {  	s3 =	simm.s32 $0x0;
	s15 =	simm.s32 $0x2800;
	s16 =	simm.s32 $0x6800  }
0x5: {  	s17 =	simm.s32 $0x1;
	s18 =	simm.s32 $0x2;
	s19 =	simm.s32 $0x1380  }
0x6: {  	s20 =	simm.s32 $0x2700;
	s5 =	sand.u32 $0x1, s0;
	s0 =	stileid.u32  }
0x7: {  	s21 =	simm.s32 $0x2780;
	s24 =	simm.s32 $0x0;
	s9 =	smul.u32 $0x14000, s0  }
0x8: {  	[smem:$0x7FF] =	sst s3;
	s4 =	sadd.s32 $0x85600, s6;
	s10 =	smul.u32 $0x140000, s5  }
0x9: {  	s1 =	sshll.u32 s5, $0x4;
	s5 =	ssub.s32 $0x2, s5;
	s28 =	smul.u32 $0x50000, s0  }
0xa: {  	s31 =	sshll.u32 s0, $0x6;
	s1 =	sor.u32 s0, s1;
	s29 =	sshrl.u32 s5, $0x1  }
0xb: {  	s8 =	smul.u32 $0x500, s1;
	s1 =	rddreg [dreg:$0x3];
	_ =	strace $0x8000004D  }
0xc: {  	s12 =	sshrl.u32 s9, $0x3;
	s9 =	sadd.s32 s9, s10;
	s13 =	ssub.s32 s5, s29  }
0xd: {  	s30 =	sshrl.u32 s28, $0x2;
	s9 =	sshrl.u32 s9, $0x3;
	s12 =	sadd.s32 s12, s6  }
0xe: {  	s14 =	sadd.s32 s30, s2;
	s10 =	smax.u32 s13, $0x1;
	s13 =	simm.s32 $0x1400  }
0xf: {  	s11 =	sadd.s32 s8, s6;
	s9 =	sadd.s32 s9, s6;
	s5 =	sadd.s32 $0xD600, s12  }
0x10: {  	s6 =	sor.u32 $0x1C03, s31;
	s7 =	sadd.s32 s7, s8;
	s12 =	simm.s32 $0x3  }
0x11: {  	s8 =	sadd.s32 $0x2E00, s11;
	s9 =	sadd.s32 $0xAD600, s9;
	s11 =	sshrl.u32 s14, $0x3  }
0x12: {  	s14 =	simm.s32 $0x80;
	s22 =	sadd.s32 $0x280, s7;
	s23 =	sadd.s32 $0x280, s8  }
.LBB2_1:
0x13: {  	[spmem:s11], [sflag:s6] =	dma.local [hbm:s5], $0x2800  }
0x14: {  	_ =	swait.ge [sflag:s12], $0x2800  }
0x15: {  	[sflag:s12] =	ssyncset.done $0x0  }
0x16: {  	[sflag:s12] =	ssyncadd.s32 $0xFFFFD800  }
0x17: {  	[bflag:$0x0] =	sbarrier.arrive $0xFFFF  }
0x18: {  	[tilespmem:s3], [sflag:$0x3] =	stream.linear.gather [hbm4b:s7+s3], $0x1400, $0x38;
	[tilespmem:$0x1E800] =	vst v63  }
0x19: {  	_ =	swait.ge [sflag:s12], $0x1400  }
0x1a: {  	[sflag:s12] =	ssyncset.done $0x0  }
0x1b: {  	[sflag:s12] =	ssyncadd.s32 $0xFFFFEC00  }
0x1c: {  	[tilespmem:s13], [sflag:$0x3] =	stream.linear.gather [hbm4b:s8+s3], $0x1400, $0x38;
	[tilespmem:$0x1E800] =	vst v63  }
0x1d: {  	_ =	swait.ge [sflag:s12], $0x1400  }
0x1e: {  	[sflag:s12] =	ssyncset.done $0x0  }
0x1f: {  	[sflag:s12] =	ssyncadd.s32 $0xFFFFEC00  }
0x20: {  	[tilespmem:s15], [sflag:$0x1] =	stream.indirect.gather [hbm4b:s4+s14], $0x80, s3, s14, $0xb8;
	[tilespmem:$0x1E800] =	vst v63  }
0x21: {  	s25 =	simm.s32 $0x80  }
0x22: {  	[tilespmem:s16], [sflag:$0x2] =	stream.indirect.gather [hbm4b:s4+s14], $0x80, s25, s14, $0xb8;
	[tilespmem:$0x1E800] =	vst v63  }
0x23: {  	_ =	swait.ge [sflag:s17], $0x4000  }
0x24: {  	[sflag:s17] =	ssyncset.done $0x0  }
0x25: {  	s29 =	simm.s32 $0x1400;
	[sflag:s17] =	ssyncadd.s32 $0xFFFFC000  }
0x26: {  	[spmem:s2] =	stream.indirect.scatter.add.f32 [tilespmem:s15], [sflag:$0x3], $0x80, s29, s14, $0xb8;
	[tilespmem:$0x1E800] =	vst v63  }
0x27: {  	_ =	swait.ge [sflag:s12], $0x4000  }
0x28: {  	[sflag:s12] =	ssyncset.done $0x0  }
0x29: {  	s30 =	simm.s32 $0x100;
	[sflag:s12] =	ssyncadd.s32 $0xFFFFC000  }
0x2a: {  	[tilespmem:s15], [sflag:$0x1] =	stream.indirect.gather [hbm4b:s4+s14], $0x80, s30, s14, $0xb8;
	[tilespmem:$0x1E800] =	vst v63  }
0x2b: {  	_ =	swait.ge [sflag:s18], $0x4000  }
0x2c: {  	[sflag:s18] =	ssyncset.done $0x0  }
0x2d: {  	s31 =	simm.s32 $0x1480;
	[sflag:s18] =	ssyncadd.s32 $0xFFFFC000  }
0x2e: {  	[spmem:s2] =	stream.indirect.scatter.add.f32 [tilespmem:s16], [sflag:$0x3], $0x80, s31, s14, $0xb8;
	[tilespmem:$0x1E800] =	vst v63  }
0x2f: {  	_ =	swait.ge [sflag:s12], $0x4000  }
0x30: {  	s26 =	simm.s32 $0x800;
	s25 =	simm.s32 $0x100;
	[sflag:s12] =	ssyncset.done $0x0  }
.LBB2_2:
0x31: {  	s28 =	sadd.s32 $0x80, s25  }
0x32: {  	[sflag:s12] =	ssyncadd.s32 $0xFFFFC000;
	s29 =	smov.u32 s26;
	s30 =	sadd.s32 $0x400, s26  }
0x33: {  	[tilespmem:s16], [sflag:$0x2] =	stream.indirect.gather [hbm4b:s4+s14], $0x80, s28, s14, $0xb8;
	[tilespmem:$0x1E800] =	vst v63  }
0x34: {  	p0 =	sne.s32 s26, $0x4800;
	_ =	swait.ge [sflag:s17], $0x4000  }
0x35: {  	[sflag:s17] =	ssyncset.done $0x0  }
0x36: {  	s26 =	sadd.s32 $0x1400, s25;
	[sflag:s17] =	ssyncadd.s32 $0xFFFFC000  }
0x37: {  	[spmem:s2] =	stream.indirect.scatter.add.f32 [tilespmem:s15], [sflag:$0x3], $0x80, s26, s14, $0xb8;
	[tilespmem:$0x1E800] =	vst v63  }
0x38: {  	_ =	swait.ge [sflag:s12], $0x4000  }
0x39: {  	[sflag:s12] =	ssyncset.done $0x0  }
0x3a: {  	s26 =	sadd.s32 $0x100, s25;
	[sflag:s12] =	ssyncadd.s32 $0xFFFFC000  }
0x3b: {  	[tilespmem:s15], [sflag:$0x1] =	stream.indirect.gather [hbm4b:s4+s14], $0x80, s26, s14, $0xb8;
	[tilespmem:$0x1E800] =	vst v63  }
0x3c: {  	_ =	swait.ge [sflag:s18], $0x4000  }
.Ltmp0:
0x3d: {  	[sflag:s18] =	ssyncset.done $0x0;
	(pc) =	sbr.rel @p0 .LBB2_2-.Ltmp0, $4  }
0x3e: {  	s25 =	sadd.s32 $0x1480, s25;
	[sflag:s18] =	ssyncadd.s32 $0xFFFFC000  }
0x3f: {  	[spmem:s2] =	stream.indirect.scatter.add.f32 [tilespmem:s16], [sflag:$0x3], $0x80, s25, s14, $0xb8;
	[tilespmem:$0x1E800] =	vst v63  }
0x40: {  	_ =	swait.ge [sflag:s12], $0x4000  }
0x41: {  	s26 =	smov.u32 s30;
	s25 =	sshra.s32 s29, $0x2;
	[sflag:s12] =	ssyncset.done $0x0  }
0x42: {  	s26 =	sadd.s32 $0x80, s25;
	[sflag:s12] =	ssyncadd.s32 $0xFFFFC000  }
0x43: {  	[tilespmem:s16], [sflag:$0x2] =	stream.indirect.gather [hbm4b:s4+s14], $0x80, s26, s14, $0xb8;
	[tilespmem:$0x1E800] =	vst v63  }
0x44: {  	_ =	swait.ge [sflag:s17], $0x4000  }
0x45: {  	[sflag:s17] =	ssyncset.done $0x0  }
0x46: {  	s29 =	sadd.s32 $0x1400, s25;
	[sflag:s17] =	ssyncadd.s32 $0xFFFFC000  }
0x47: {  	[spmem:s2] =	stream.indirect.scatter.add.f32 [tilespmem:s15], [sflag:$0x3], $0x80, s29, s14, $0xb8;
	[tilespmem:$0x1E800] =	vst v63  }
0x48: {  	_ =	swait.ge [sflag:s12], $0x4000  }
0x49: {  	[sflag:s12] =	ssyncset.done $0x0  }
0x4a: {  	s30 =	sadd.s32 $0x100, s25;
	[sflag:s12] =	ssyncadd.s32 $0xFFFFC000  }
0x4b: {  	[tilespmem:s15], [sflag:$0x1] =	stream.indirect.gather [hbm4b:s4+s14], $0x80, s30, s14, $0xb8;
	[tilespmem:$0x1E800] =	vst v63  }
0x4c: {  	_ =	swait.ge [sflag:s18], $0x4000  }
0x4d: {  	[sflag:s18] =	ssyncset.done $0x0  }
0x4e: {  	s31 =	sadd.s32 $0x1480, s25;
	[sflag:s18] =	ssyncadd.s32 $0xFFFFC000  }
0x4f: {  	[spmem:s2] =	stream.indirect.scatter.add.f32 [tilespmem:s16], [sflag:$0x3], $0x80, s31, s14, $0xb8;
	[tilespmem:$0x1E800] =	vst v63  }
0x50: {  	_ =	swait.ge [sflag:s12], $0x4000  }
0x51: {  	[sflag:s12] =	ssyncset.done $0x0  }
0x52: {  	[sflag:s12] =	ssyncadd.s32 $0xFFFFC000  }
0x53: {  	[tilespmem:s16], [sflag:$0x2] =	stream.indirect.gather [hbm4b:s4+s14], $0x80, s19, s14, $0xb8;
	[tilespmem:$0x1E800] =	vst v63  }
0x54: {  	_ =	swait.ge [sflag:s17], $0x4000  }
0x55: {  	[sflag:s17] =	ssyncset.done $0x0  }
0x56: {  	[sflag:s17] =	ssyncadd.s32 $0xFFFFC000  }
0x57: {  	[spmem:s2] =	stream.indirect.scatter.add.f32 [tilespmem:s15], [sflag:$0x3], $0x80, s20, s14, $0xb8;
	[tilespmem:$0x1E800] =	vst v63  }
0x58: {  	_ =	swait.ge [sflag:s12], $0x4000  }
0x59: {  	[sflag:s12] =	ssyncset.done $0x0  }
0x5a: {  	[sflag:s12] =	ssyncadd.s32 $0xFFFFC000  }
0x5b: {  	_ =	swait.ge [sflag:s18], $0x4000  }
0x5c: {  	[sflag:s18] =	ssyncset.done $0x0  }
0x5d: {  	[sflag:s18] =	ssyncadd.s32 $0xFFFFC000  }
0x5e: {  	[spmem:s2] =	stream.indirect.scatter.add.f32 [tilespmem:s16], [sflag:$0x3], $0x80, s21, s14, $0xb8;
	[tilespmem:$0x1E800] =	vst v63  }
0x5f: {  	_ =	swait.ge [sflag:s12], $0x4000  }
0x60: {  	[sflag:s12] =	ssyncset.done $0x0  }
0x61: {  	s26 =	simm.s32 $0x0;
	[sflag:s12] =	ssyncadd.s32 $0xFFFFC000  }
0x62: {  	[tilespmem:s26], [sflag:$0x3] =	stream.linear.gather [hbm4b:s22+s26], $0x1400, $0x38;
	[tilespmem:$0x1E800] =	vst v63  }
0x63: {  	_ =	swait.ge [sflag:s12], $0x1400  }
0x64: {  	[sflag:s12] =	ssyncset.done $0x0  }
0x65: {  	[sflag:s12] =	ssyncadd.s32 $0xFFFFEC00  }
0x66: {  	[tilespmem:s13], [sflag:$0x3] =	stream.linear.gather [hbm4b:s23+s26], $0x1400, $0x38;
	[tilespmem:$0x1E800] =	vst v63  }
0x67: {  	_ =	swait.ge [sflag:s12], $0x1400  }
0x68: {  	[sflag:s12] =	ssyncset.done $0x0  }
0x69: {  	[sflag:s12] =	ssyncadd.s32 $0xFFFFEC00  }
0x6a: {  	[tilespmem:s15], [sflag:$0x1] =	stream.indirect.gather [hbm4b:s4+s14], $0x80, s26, s14, $0xb8;
	[tilespmem:$0x1E800] =	vst v63  }
0x6b: {  	s28 =	simm.s32 $0x80  }
0x6c: {  	[tilespmem:s16], [sflag:$0x2] =	stream.indirect.gather [hbm4b:s4+s14], $0x80, s28, s14, $0xb8;
	[tilespmem:$0x1E800] =	vst v63  }
0x6d: {  	_ =	swait.ge [sflag:s17], $0x4000  }
0x6e: {  	[sflag:s17] =	ssyncset.done $0x0  }
0x6f: {  	s29 =	simm.s32 $0x1400;
	[sflag:s17] =	ssyncadd.s32 $0xFFFFC000  }
0x70: {  	[spmem:s2] =	stream.indirect.scatter.add.f32 [tilespmem:s15], [sflag:$0x3], $0x80, s29, s14, $0xb8;
	[tilespmem:$0x1E800] =	vst v63  }
0x71: {  	_ =	swait.ge [sflag:s12], $0x4000  }
0x72: {  	[sflag:s12] =	ssyncset.done $0x0  }
0x73: {  	s30 =	simm.s32 $0x100;
	[sflag:s12] =	ssyncadd.s32 $0xFFFFC000  }
0x74: {  	[tilespmem:s15], [sflag:$0x1] =	stream.indirect.gather [hbm4b:s4+s14], $0x80, s30, s14, $0xb8;
	[tilespmem:$0x1E800] =	vst v63  }
0x75: {  	_ =	swait.ge [sflag:s18], $0x4000  }
0x76: {  	[sflag:s18] =	ssyncset.done $0x0  }
0x77: {  	s31 =	simm.s32 $0x1480;
	[sflag:s18] =	ssyncadd.s32 $0xFFFFC000  }
0x78: {  	[spmem:s2] =	stream.indirect.scatter.add.f32 [tilespmem:s16], [sflag:$0x3], $0x80, s31, s14, $0xb8;
	[tilespmem:$0x1E800] =	vst v63  }
0x79: {  	_ =	swait.ge [sflag:s12], $0x4000  }
0x7a: {  	s25 =	simm.s32 $0x100;
	s26 =	simm.s32 $0x800;
	[sflag:s12] =	ssyncset.done $0x0  }
.LBB2_4:
0x7b: {  	s28 =	sadd.s32 $0x80, s25  }
0x7c: {  	[sflag:s12] =	ssyncadd.s32 $0xFFFFC000;
	s29 =	smov.u32 s26;
	s30 =	sadd.s32 $0x400, s26  }
0x7d: {  	[tilespmem:s16], [sflag:$0x2] =	stream.indirect.gather [hbm4b:s4+s14], $0x80, s28, s14, $0xb8;
	[tilespmem:$0x1E800] =	vst v63  }
0x7e: {  	p0 =	sne.s32 s26, $0x4800;
	_ =	swait.ge [sflag:s17], $0x4000  }
0x7f: {  	[sflag:s17] =	ssyncset.done $0x0  }
0x80: {  	s26 =	sadd.s32 $0x1400, s25;
	[sflag:s17] =	ssyncadd.s32 $0xFFFFC000  }
0x81: {  	[spmem:s2] =	stream.indirect.scatter.add.f32 [tilespmem:s15], [sflag:$0x3], $0x80, s26, s14, $0xb8;
	[tilespmem:$0x1E800] =	vst v63  }
0x82: {  	_ =	swait.ge [sflag:s12], $0x4000  }
0x83: {  	[sflag:s12] =	ssyncset.done $0x0  }
0x84: {  	s26 =	sadd.s32 $0x100, s25;
	[sflag:s12] =	ssyncadd.s32 $0xFFFFC000  }
0x85: {  	[tilespmem:s15], [sflag:$0x1] =	stream.indirect.gather [hbm4b:s4+s14], $0x80, s26, s14, $0xb8;
	[tilespmem:$0x1E800] =	vst v63  }
0x86: {  	_ =	swait.ge [sflag:s18], $0x4000  }
.Ltmp1:
0x87: {  	[sflag:s18] =	ssyncset.done $0x0;
	(pc) =	sbr.rel @p0 .LBB2_4-.Ltmp1, $4  }
0x88: {  	s25 =	sadd.s32 $0x1480, s25;
	[sflag:s18] =	ssyncadd.s32 $0xFFFFC000  }
0x89: {  	[spmem:s2] =	stream.indirect.scatter.add.f32 [tilespmem:s16], [sflag:$0x3], $0x80, s25, s14, $0xb8;
	[tilespmem:$0x1E800] =	vst v63  }
0x8a: {  	_ =	swait.ge [sflag:s12], $0x4000  }
0x8b: {  	s26 =	smov.u32 s30;
	s25 =	sshra.s32 s29, $0x2;
	[sflag:s12] =	ssyncset.done $0x0  }
0x8c: {  	s26 =	sadd.s32 $0x80, s25;
	[sflag:s12] =	ssyncadd.s32 $0xFFFFC000  }
0x8d: {  	[tilespmem:s16], [sflag:$0x2] =	stream.indirect.gather [hbm4b:s4+s14], $0x80, s26, s14, $0xb8;
	[tilespmem:$0x1E800] =	vst v63  }
0x8e: {  	_ =	swait.ge [sflag:s17], $0x4000  }
0x8f: {  	[sflag:s17] =	ssyncset.done $0x0  }
0x90: {  	s29 =	sadd.s32 $0x1400, s25;
	[sflag:s17] =	ssyncadd.s32 $0xFFFFC000  }
0x91: {  	[spmem:s2] =	stream.indirect.scatter.add.f32 [tilespmem:s15], [sflag:$0x3], $0x80, s29, s14, $0xb8;
	[tilespmem:$0x1E800] =	vst v63  }
0x92: {  	_ =	swait.ge [sflag:s12], $0x4000  }
0x93: {  	[sflag:s12] =	ssyncset.done $0x0  }
0x94: {  	s30 =	sadd.s32 $0x100, s25;
	[sflag:s12] =	ssyncadd.s32 $0xFFFFC000  }
0x95: {  	[tilespmem:s15], [sflag:$0x1] =	stream.indirect.gather [hbm4b:s4+s14], $0x80, s30, s14, $0xb8;
	[tilespmem:$0x1E800] =	vst v63  }
0x96: {  	_ =	swait.ge [sflag:s18], $0x4000  }
0x97: {  	[sflag:s18] =	ssyncset.done $0x0  }
0x98: {  	s31 =	sadd.s32 $0x1480, s25;
	[sflag:s18] =	ssyncadd.s32 $0xFFFFC000  }
0x99: {  	[spmem:s2] =	stream.indirect.scatter.add.f32 [tilespmem:s16], [sflag:$0x3], $0x80, s31, s14, $0xb8;
	[tilespmem:$0x1E800] =	vst v63  }
0x9a: {  	_ =	swait.ge [sflag:s12], $0x4000  }
0x9b: {  	[sflag:s12] =	ssyncset.done $0x0  }
0x9c: {  	[sflag:s12] =	ssyncadd.s32 $0xFFFFC000  }
0x9d: {  	[tilespmem:s16], [sflag:$0x2] =	stream.indirect.gather [hbm4b:s4+s14], $0x80, s19, s14, $0xb8;
	[tilespmem:$0x1E800] =	vst v63  }
0x9e: {  	_ =	swait.ge [sflag:s17], $0x4000  }
0x9f: {  	[sflag:s17] =	ssyncset.done $0x0  }
0xa0: {  	[sflag:s17] =	ssyncadd.s32 $0xFFFFC000  }
0xa1: {  	[spmem:s2] =	stream.indirect.scatter.add.f32 [tilespmem:s15], [sflag:$0x3], $0x80, s20, s14, $0xb8;
	[tilespmem:$0x1E800] =	vst v63  }
0xa2: {  	_ =	swait.ge [sflag:s12], $0x4000  }
0xa3: {  	[sflag:s12] =	ssyncset.done $0x0  }
0xa4: {  	[sflag:s12] =	ssyncadd.s32 $0xFFFFC000  }
0xa5: {  	_ =	swait.ge [sflag:s18], $0x4000  }
0xa6: {  	[sflag:s18] =	ssyncset.done $0x0  }
0xa7: {  	[sflag:s18] =	ssyncadd.s32 $0xFFFFC000  }
0xa8: {  	[spmem:s2] =	stream.indirect.scatter.add.f32 [tilespmem:s16], [sflag:$0x3], $0x80, s21, s14, $0xb8;
	[tilespmem:$0x1E800] =	vst v63  }
0xa9: {  	_ =	swait.ge [sflag:s12], $0x4000  }
0xaa: {  	s24 =	sadd.s32 $0x1, s24;
	[sflag:s12] =	ssyncset.done $0x0  }
0xab: {  	p0 =	sne.s32 s24, s10;
	[sflag:s12] =	ssyncadd.s32 $0xFFFFC000  }
.Ltmp2:
0xac: {  	[bflag:$0x0] =	sbarrier.arrive $0xFFFF;
	(pc) =	sbr.rel @p0 .LBB2_1-.Ltmp2, $4  }
0xad: {  	[hbm:s9], [sflag:s6] =	dma.local [spmem:s11], $0x2800  }
0xae: {  	_ =	swait.ge [sflag:s12], $0x2800  }
0xaf: {  	[sflag:s12] =	ssyncset.done $0x0  }
0xb0: {  	[sflag:s12] =	ssyncadd.s32 $0xFFFFD800  }
0xb1: {  	_ =	sfence.sel $0x180000  }
0xb2: {  	[bflag:$0x0] =	sbarrier.arrive $0xFFFF  }
0xb3: {  	p0 =	sne.s32 s0, $0x0;
	_ =	strace $0x9000004D  }
0xb4: {  	s0 =	sadd.s32 @!p0 $0x100000, s1;
	[bflag:$0x2] =	sbarrier.arrive $0xFFFF  }
0xb5: {  	[sflag:s0] =	ssyncadd.tile.s32 @!p0 $0x1;
	_ =	shalt  }
.Lfunc_end2:
_tile_overlayer_lowered:
.L_overlay_start_2:
0xb6: {  	(tag) =	ssettag $0x2  }
0xb7: {  	s0 =	rddreg [dreg:$0x0];
	s2 =	stileid.u32  }
0xb8: {  	s1 =	rddreg [dreg:$0x1];
	p0 =	sne.s32 s2, $0x0  }
0xb9: {  	s3 =	rddreg [dreg:$0x2];
	[bflag:$0x3] =	sbarrier.arrive $0xFFFF;
	s2 =	simm.s32 @!p0 $0x1C03  }
0xba: {  	[timem:s3], [sflag:s2] =	dma.local @!p0 [hbm:s0], s1  }
0xbb: {  	s0 =	simm.s32 @!p0 $0x3  }
0xbc: {  	_ =	swait.ge @!p0 [sflag:s0], s1  }
0xbd: {  	s1 =	ssub.s32 @!p0 $0x0, s1;
	[sflag:s0] =	ssyncset.done @!p0 $0x0  }
0xbe: {  	[sflag:s0] =	ssyncadd.s32 @!p0 s1  }
0xbf: {  	[bflag:$0x3] =	sbarrier.arrive $0xFFFF  }
0xc0: {  	_ =	shalt  }

// kernel: kernel.8.cloned.1.call-start
scs
__scs_entry_jumppad:
0x0: {  	(pc) =	sbr.rel $0x88, $3  }
0x1: {  	(tag) =	ssettag $0x0;
	lr =	simm.s32 $0x1  }
0x2: {  	[smem:$0x3F9B] =	sst lr;
	_ =	strace $0xD0000000  }
0x3: {  	_ = 	snop  }
0x4: {  	_ = 	snop  }
0x5: {  	_ = 	snop  }
0x6: {  	_ = 	snop  }
0x7: {  	_ = 	snop  }
__scs_overlays_trampoline_lowered:
0x8: {  	[smem:$0x3FAA] =	sst s0  }
0x9: {  	[smem:$0x3FAB] =	sst s1  }
0xa: {  	[smem:$0x3FAC] =	sst s2  }
0xb: {  	[smem:$0x3FAD] =	sst s3  }
0xc: {  	[smem:$0x3FAE] =	sst s4  }
0xd: {  	[smem:$0x3FAF] =	sst s5  }
0xe: {  	[smem:$0x3FB0] =	sst s6  }
0xf: {  	[smem:$0x3FB1] =	sst s7  }
0x10: {  	[smem:$0x3FB2] =	sst s8  }
0x11: {  	[smem:$0x3FB3] =	sst s9;
	s0 =	simm.s32 @!p0 $0x0  }
0x12: {  	s1 =	sld [smem:$0x3F99];
	s0 =	simm.s32 @p0 $0x1  }
0x13: {  	[smem:$0x3FB4] =	sst s0;
	s0 =	simm.s32 @!p1 $0x0  }
0x14: {  	s2 =	sld [smem:$0x3F98];
	s0 =	simm.s32 @p1 $0x1  }
0x15: {  	[smem:$0x3FB5] =	sst s0;
	s0 =	simm.s32 @!p2 $0x0  }
0x16: {  	s3 =	sld [smem:$0x3FDB];
	s0 =	simm.s32 @p2 $0x1  }
0x17: {  	s4 =	simm.s32 $0x1BF5;
	[smem:$0x3FB7] =	sst s0  }
0x18: {  	s0 =	sld [smem:$0x3F9A];
	_ =	swait.ge [sflag:s4], $0x0  }
0x19: {  	s7 =	sld [smem:$0x3F9B]  }
0x1a: {  	s8 =	sadd.s32 $0xFFFFE003, lr  }
0x1b: {  	s9 =	sadd.s32 $0xFFFFFEF7, lr;
	s5 =	simm.s32 $0xFFFFFFFF;
	p2 =	slt.u32 s8, $0xFFFFF086  }
0x1c: {  	p1 =	slt.u32 s9, $0xF7A;
	s5 =	simm.s32 @!p2 $0x0  }
0x1d: {  	s5 =	simm.s32 @p1 $0x1;
	p0 =	seq.s32 s7, s2  }
0x1e: {  	s7 =	smul.u32 @!p0 $0xF7A, s2;
	p2 =	seq.s32 @!p0 s5, $0x0  }
0x1f: {  	s9 =	smul.u32 $0xF7A, s1;
	s8 =	simm.s32 @!p0 $0x1BF5;
	p2 =	por !p2, p0  }
0x20: {  	[sflag:s8] =	ssyncset.s32 @!p0 $0xFFFFF086;
	s6 =	sadd.s32 @!p0 s3, s7;
	s7 =	simm.s32 @!p0 $0x108  }
0x21: {  	s3 =	sadd.s32 s3, s9;
	s6 =	sadd.s32 @!p0 $0x88, s6;
	s7 =	simm.s32 @p2 $0x1082  }
0x22: {  	[simem:s7], [sflag:s8] =	dma.local @!p0 [hbm:s6], $0xF7A  }
0x23: {  	s9 =	sor.u32 $0xD0000000, s2;
	s6 =	simm.s32 $0x108;
	_ =	swait.ge @!p0 [sflag:s8], $0x0  }
0x24: {  	s3 =	sadd.s32 $0x88, s3;
	s6 =	simm.s32 @!p1 $0x1082;
	[sflag:s4] =	ssyncset.s32 $0xFFFFF086  }
0x25: {  	[simem:s6], [sflag:s4] =	dma.local [hbm:s3], $0xF7A  }
0x26: {  	[smem:$0x3F9B] =	sst s1;
	(tag) =	ssettag s2;
	_ =	strace s9  }
0x27: {  	s1 =	sld [smem:$0x3FAB]  }
0x28: {  	s2 =	sld [smem:$0x3FAC]  }
0x29: {  	s4 =	sld [smem:$0x3FAE]  }
0x2a: {  	p0 =	seq.s32 s5, $0x0;
	s5 =	sld [smem:$0x3FAF]  }
0x2b: {  	s6 =	sld [smem:$0x3FB0]  }
0x2c: {  	s7 =	sld [smem:$0x3FB1]  }
0x2d: {  	s3 =	simm.s32 $0x108;
	s8 =	sld [smem:$0x3FB2]  }
0x2e: {  	s3 =	simm.s32 @!p0 $0x1082;
	s9 =	sld [smem:$0x3FB3]  }
0x2f: {  	lr =	sadd.s32 s0, s3;
	s0 =	sld [smem:$0x3FAA]  }
0x30: {  	s3 =	sld [smem:$0x3FAD]  }
0x31: {  	[smem:$0x3FB6] =	sst s10  }
0x32: {  	s10 =	sld [smem:$0x3FB4];
	_ =	sdelay $0x3  }
0x33: {  	p0 =	seq.s32 s10, $0x1;
	s10 =	sld [smem:$0x3FB6];
	_ =	sdelay $0x3  }
0x34: {  	[smem:$0x3FB6] =	sst s10  }
0x35: {  	s10 =	sld [smem:$0x3FB5];
	_ =	sdelay $0x3  }
0x36: {  	p1 =	seq.s32 s10, $0x1;
	s10 =	sld [smem:$0x3FB6];
	_ =	sdelay $0x3  }
0x37: {  	[smem:$0x3FB6] =	sst s10  }
0x38: {  	s10 =	sld [smem:$0x3FB7]  }
0x39: {  	_ = 	snop;
	(pc) =	sbr.ind lr, $3  }
0x3a: {  	_ = 	snop  }
0x3b: {  	_ = 	snop  }
0x3c: {  	p2 =	seq.s32 s10, $0x1;
	s10 =	sld [smem:$0x3FB6]  }
0x3d: {  	_ =	shalt  }
0x3e: {  	_ =	shalt  }
0x3f: {  	_ =	shalt  }
0x40: {  	_ =	shalt  }
0x41: {  	_ =	shalt  }
0x42: {  	_ =	shalt  }
0x43: {  	_ =	shalt  }
0x44: {  	_ =	shalt  }
0x45: {  	_ =	shalt  }
0x46: {  	_ =	shalt  }
0x47: {  	_ =	shalt  }
0x48: {  	_ =	shalt  }
0x49: {  	_ =	shalt  }
0x4a: {  	_ =	shalt  }
0x4b: {  	_ =	shalt  }
0x4c: {  	_ =	shalt  }
0x4d: {  	_ =	shalt  }
0x4e: {  	_ =	shalt  }
0x4f: {  	_ =	shalt  }
0x50: {  	_ =	shalt  }
0x51: {  	_ =	shalt  }
0x52: {  	_ =	shalt  }
0x53: {  	_ =	shalt  }
0x54: {  	_ =	shalt  }
0x55: {  	_ =	shalt  }
0x56: {  	_ =	shalt  }
0x57: {  	_ =	shalt  }
0x58: {  	_ =	shalt  }
0x59: {  	_ =	shalt  }
0x5a: {  	_ =	shalt  }
0x5b: {  	_ =	shalt  }
0x5c: {  	_ =	shalt  }
0x5d: {  	_ =	shalt  }
0x5e: {  	_ =	shalt  }
0x5f: {  	_ =	shalt  }
0x60: {  	_ =	shalt  }
0x61: {  	_ =	shalt  }
0x62: {  	_ =	shalt  }
0x63: {  	_ =	shalt  }
0x64: {  	_ =	shalt  }
0x65: {  	_ =	shalt  }
0x66: {  	_ =	shalt  }
0x67: {  	_ =	shalt  }
0x68: {  	_ =	shalt  }
0x69: {  	_ =	shalt  }
0x6a: {  	_ =	shalt  }
0x6b: {  	_ =	shalt  }
0x6c: {  	_ =	shalt  }
0x6d: {  	_ =	shalt  }
0x6e: {  	_ =	shalt  }
0x6f: {  	_ =	shalt  }
0x70: {  	_ =	shalt  }
0x71: {  	_ =	shalt  }
0x72: {  	_ =	shalt  }
0x73: {  	_ =	shalt  }
0x74: {  	_ =	shalt  }
0x75: {  	_ =	shalt  }
0x76: {  	_ =	shalt  }
0x77: {  	_ =	shalt  }
0x78: {  	_ =	shalt  }
0x79: {  	_ =	shalt  }
0x7a: {  	_ =	shalt  }
0x7b: {  	_ =	shalt  }
0x7c: {  	_ =	shalt  }
0x7d: {  	_ =	shalt  }
0x7e: {  	_ =	shalt  }
0x7f: {  	_ =	shalt  }
0x80: {  	_ =	shalt  }
0x81: {  	_ =	shalt  }
0x82: {  	_ =	shalt  }
0x83: {  	_ =	shalt  }
0x84: {  	_ =	shalt  }
0x85: {  	_ =	shalt  }
0x86: {  	_ =	shalt  }
0x87: {  	_ =	shalt  }
.Lfunc_end0:
.L_simem_size_0:
called_computation_lowered:
.L_overlay_start_0:
0x88: {  	s2 =	sld [smem:$0x3FD9]  }
0x89: {  	s3 =	sld [smem:$0x3FFE];
	_ =	sdelay $0x1  }
0x8a: {  	s1 =	srdreg.scid  }
0x8b: {  	s0 =	sand.u32 $0x1, s1  }
0x8c: {  	s16 =	sshll.u32 s0, $0xA;
	s2 =	sadd.s32 s3, s2  }
0x8d: {  	s2 =	sadd.s32 s2, s16  }
0x8e: {  	[smem:$0x3FC2] =	sst s2  }
0x8f: {  	_ = 	snop  }
0x90: {  	(tm) =	ssettm $0x1  }
0x91: {  	s17 =	sld [smem:$0x3FFB];
	_ =	sdelay $0x3  }
0x92: {  	_ =	strace s17  }
0x93: {  	s2 =	sld [smem:$0x3FFC];
	_ =	sdelay $0x3  }
0x94: {  	_ =	strace s2  }
0x95: {  	s2 =	sld [smem:$0x3FFD];
	_ =	sdelay $0x3  }
0x96: {  	_ =	strace s2  }
0x97: {  	_ =	strace $0x8FFFFFFF  }
0x98: {  	s18 =	sld [smem:$0x3FDB];
	_ =	sdelay $0x1  }
0x99: {  	s19 =	simm.s32 $_scs_section_size  }
0x9a: {  	s4 =	simm.s32 $_size__tile_overlayer_lowered;
	s5 =	simm.s32 $_tile_overlayer_lowered  }
0x9b: {  	s22 =	simm.s32 $0x1BFF;
	s21 =	sshll.u32 s5, $0x1;
	s2 =	sadd.s32 s19, s18  }
0x9c: {  	s6 =	simm.s32 $0x0;
	s20 =	sshll.u32 s4, $0x1;
	s4 =	sadd.s32 s21, s2  }
0x9d: {  	[timem:s6], [sflag:s22] =	dma.local [hbm:s4], s20  }
0x9e: {  	_ =	swait.ge [sflag:s22], s20  }
0x9f: {  	s3 =	ssub.s32 $0x0, s20;
	[sflag:s22] =	ssyncset.done $0x0  }
0xa0: {  	[sflag:s22] =	ssyncadd.s32 s3;
	_ =	sdelay $0x1  }
0xa1: {  	s23 =	simm.s32 $0x1B8B  }
0xa2: {  	_ =	swait.ge [sflag:s23], $0x1  }
0xa3: {  	[sflag:s23] =	ssyncset.done $0x0  }
0xa4: {  	s25 =	simm.s32 $0x1B8E;
	s24 =	sld [smem:$0x3FFE];
	[sflag:s23] =	ssyncadd.s32 $0xFFFFFFFF  }
0xa5: {  	s26 =	simm.s32 $execute0_lowered;
	[smem:$0x3FD2] =	sst s25  }
0xa6: {  	s4 =	sshll.u32 s26, $0x1;
	_ =	strace $0x80000046;
	[dreg:$0x1] =	wrdreg $0xFFFFFFFF  }
0xa7: {  	s28 =	simm.s32 $_size_execute0_lowered;
	s2 =	sadd.s32 s2, s4;
	[dreg:$0x0] =	wrdreg $0x0  }
0xa8: {  	s4 =	sshll.u32 s28, $0x1;
	[dreg:$0x2] =	wrdreg s2  }
0xa9: {  	[dreg:$0x3] =	wrdreg s4  }
0xaa: {  	[dreg:$0x4] =	wrdreg $0xC0  }
0xab: {  	_ =	task [dreg:s6], $0x5FFFF  }
0xac: {  	[dreg:$0x1] =	wrdreg $0xFFFFFFFF  }
0xad: {  	[dreg:$0x0] =	wrdreg $0x60  }
0xae: {  	[dreg:$0x2] =	wrdreg s24  }
0xaf: {  	[dreg:$0x3] =	wrdreg $0x68000  }
0xb0: {  	[dreg:$0x4] =	wrdreg $0x9  }
0xb1: {  	_ =	task.clear_ibuf [dreg:s6], $0x5FFFF;
	_ =	strace $0x90000046  }
0xb2: {  	s29 =	simm.s32 $0x9;
	_ =	strace $0x80000048  }
0xb3: {  	_ =	swait.ge [sflag:s29], $0x1  }
0xb4: {  	[sflag:s29] =	ssyncadd.s32 $0xFFFFFFFF  }
0xb5: {  	_ =	strace $0x90000048  }
0xb6: {  	_ =	sfence  }
0xb7: {  	s30 =	sld [smem:$0x0];
	_ =	sdelay $0x2  }
0xb8: {  	s31 =	sshll.u32 s1, $0xD;
	s1 =	sshrl.u32 s1, $0x2  }
0xb9: {  	s3 =	sand.u32 $0x4000, s31;
	s1 =	sadd.s32 s1, s30  }
0xba: {  	s0 =	sor.u32 s3, s0;
	s1 =	sshll.u32 s1, $0x11  }
0xbb: {  	s0 =	sor.u32 s1, s0  }
0xbc: {  	s0 =	sadd.s32 $0x8F2B, s0  }
0xbd: {  	[sflag:s0] =	ssyncadd.remote.s32 $0x1  }
0xbe: {  	_ =	sfence.sel $0xFFFF  }
0xbf: {  	[dreg:$0x0] =	wrdreg $0xFFFFFFFF;
	(pc) =	sbr.abs _section_cstart, $3  }
0xc0: {  	[dreg:$0x1] =	wrdreg $0xFFFFFFFF  }
0xc1: {  	_ =	task.clear_ibuf [dreg:s6], $0x2FFFF;
	_ =	strace $0x9FFFFFFF  }
0xc2: {  	(tm) =	ssettm $0x7FFFFFFF  }
0xc3: {  	_ =	shalt  }
tec
execute0_lowered:
.L_overlay_start_1:
0x0: {  	(tag) =	ssettag $0x1  }
0x1: {  	s0 =	srdreg.scid;
	s6 =	rddreg [dreg:$0x0]  }
0x2: {  	s2 =	rddreg [dreg:$0x1];
	s5 =	sand.u32 $0x1, s0;
	s0 =	stileid.u32  }
0x3: {  	s3 =	simm.s32 $0x0;
	s13 =	simm.s32 $0x80;
	s7 =	smul.u32 $0x14000, s0  }
0x4: {  	s14 =	simm.s32 $0x0;
	[smem:$0x7FF] =	sst s3;
	s8 =	smul.u32 $0x140000, s5  }
0x5: {  	s1 =	sshll.u32 s5, $0x4;
	s5 =	ssub.s32 $0x2, s5;
	s29 =	smul.u32 $0x50000, s0  }
0x6: {  	s31 =	sshll.u32 s0, $0x6;
	s4 =	sor.u32 s0, s1;
	s1 =	rddreg [dreg:$0x2]  }
0x7: {  	_ =	strace $0x80000047;
	s11 =	sshrl.u32 s5, $0x1;
	s4 =	smul.u32 $0x500, s4  }
0x8: {  	s10 =	sshrl.u32 s7, $0x3;
	s7 =	sadd.s32 s7, s8;
	s11 =	ssub.s32 s5, s11  }
0x9: {  	s30 =	sshrl.u32 s29, $0x2;
	s10 =	sadd.s32 s10, s6;
	s7 =	sshrl.u32 s7, $0x3  }
0xa: {  	s12 =	sadd.s32 s30, s2;
	s8 =	smax.u32 s11, $0x1;
	s11 =	sor.u32 $0x1C01, s31  }
0xb: {  	s9 =	sadd.s32 s4, s6;
	s4 =	sadd.s32 $0xCE00, s6;
	s7 =	sadd.s32 s7, s6  }
0xc: {  	s6 =	sadd.s32 $0xD600, s10;
	s10 =	simm.s32 $0x2800;
	s12 =	sshrl.u32 s12, $0x3  }
0xd: {  	s5 =	sadd.s32 $0x2E00, s9;
	s7 =	sadd.s32 $0x35600, s7;
	s9 =	simm.s32 $0x1  }
.LBB2_1:
0xe: {  	[tilespmem:s3], [sflag:$0x1] =	stream.linear.gather [hbm4b:s5+s3], $0x2800, $0x38;
	[tilespmem:$0x1A800] =	vst v63  }
0xf: {  	_ =	swait.ge [sflag:s9], $0x2800  }
0x10: {  	[sflag:s9] =	ssyncset.done $0x0  }
0x11: {  	[sflag:s9] =	ssyncadd.s32 $0xFFFFD800  }
0x12: {  	[tilespmem:s10], [sflag:$0x1] =	stream.linear.gather [hbm4b:s4+s3], $0x4000, $0x38;
	[tilespmem:$0x1A800] =	vst v63  }
0x13: {  	_ =	swait.ge [sflag:s9], $0x4000  }
0x14: {  	[sflag:s9] =	ssyncset.done $0x0  }
0x15: {  	[sflag:s9] =	ssyncadd.s32 $0xFFFFC000  }
0x16: {  	[spmem:s12], [sflag:s11] =	dma.local [hbm:s6], $0x2800  }
0x17: {  	_ =	swait.ge [sflag:s9], $0x2800  }
0x18: {  	[sflag:s9] =	ssyncset.done $0x0  }
0x19: {  	[sflag:s9] =	ssyncadd.s32 $0xFFFFD800  }
0x1a: {  	s15 =	simm.s32 $0x0;
	[bflag:$0x0] =	sbarrier.arrive $0xFFFF  }
0x1b: {  	[spmem:s2] =	stream.indirect.scatter.add.f32 [tilespmem:s10], [sflag:$0x1], $0x80, s15, s13, $0xb8;
	[tilespmem:$0x1A800] =	vst v63  }
0x1c: {  	_ =	swait.ge [sflag:s9], $0x4000  }
0x1d: {  	s15 =	simm.s32 $0x200;
	[sflag:s9] =	ssyncset.done $0x0  }
.LBB2_2:
0x1e: {  	s16 =	sshra.s32 s15, $0x2;
	[sflag:s9] =	ssyncadd.s32 $0xFFFFC000;
	p0 =	sne.s32 s15, $0x9E00  }
0x1f: {  	[spmem:s2] =	stream.indirect.scatter.add.f32 [tilespmem:s10], [sflag:$0x1], $0x80, s16, s13, $0xb8;
	[tilespmem:$0x1A800] =	vst v63  }
.Ltmp0:
0x20: {  	_ = 	snop;
	(pc) =	sbr.rel @p0 .LBB2_2-.Ltmp0, $4  }
0x21: {  	_ = 	snop  }
0x22: {  	s15 =	sadd.s32 $0x200, s15  }
0x23: {  	_ =	swait.ge [sflag:s9], $0x4000  }
0x24: {  	[sflag:s9] =	ssyncset.done $0x0  }
0x25: {  	s14 =	sadd.s32 $0x1, s14  }
0x26: {  	[sflag:s9] =	ssyncadd.s32 $0xFFFFC000;
	p0 =	sne.s32 s14, s8  }
.Ltmp1:
0x27: {  	[bflag:$0x0] =	sbarrier.arrive $0xFFFF;
	(pc) =	sbr.rel @p0 .LBB2_1-.Ltmp1, $4  }
0x28: {  	[hbm:s7], [sflag:s11] =	dma.local [spmem:s12], $0x2800  }
0x29: {  	_ =	swait.ge [sflag:s9], $0x2800  }
0x2a: {  	[sflag:s9] =	ssyncset.done $0x0  }
0x2b: {  	[sflag:s9] =	ssyncadd.s32 $0xFFFFD800  }
0x2c: {  	_ =	sfence.sel $0x180000  }
0x2d: {  	[bflag:$0x0] =	sbarrier.arrive $0xFFFF  }
0x2e: {  	p0 =	sne.s32 s0, $0x0;
	_ =	strace $0x90000047  }
0x2f: {  	s0 =	sadd.s32 @!p0 $0x100000, s1;
	[bflag:$0x2] =	sbarrier.arrive $0xFFFF  }
0x30: {  	[sflag:s0] =	ssyncadd.tile.s32 @!p0 $0x1;
	_ =	shalt  }
.Lfunc_end2:
_tile_overlayer_lowered:
.L_overlay_start_2:
0x31: {  	(tag) =	ssettag $0x2  }
0x32: {  	s0 =	rddreg [dreg:$0x0];
	s2 =	stileid.u32  }
0x33: {  	s1 =	rddreg [dreg:$0x1];
	p0 =	sne.s32 s2, $0x0  }
0x34: {  	s3 =	rddreg [dreg:$0x2];
	[bflag:$0x3] =	sbarrier.arrive $0xFFFF;
	s2 =	simm.s32 @!p0 $0x1C01  }
0x35: {  	[timem:s3], [sflag:s2] =	dma.local @!p0 [hbm:s0], s1  }
0x36: {  	s0 =	simm.s32 @!p0 $0x1  }
0x37: {  	_ =	swait.ge @!p0 [sflag:s0], s1  }
0x38: {  	s1 =	ssub.s32 @!p0 $0x0, s1;
	[sflag:s0] =	ssyncset.done @!p0 $0x0  }
0x39: {  	[sflag:s0] =	ssyncadd.s32 @!p0 s1  }
0x3a: {  	[bflag:$0x3] =	sbarrier.arrive $0xFFFF  }
0x3b: {  	_ =	shalt  }

</sc_bundles>
